<compile_context>
chip_gen: v7x
topology: tpu7x:2x2x1
jax: 0.10.2.dev20260603
libtpu: 0.0.44.dev20260713+nightly
codegen_flags: <defaults>
</compile_context>

<pallas_src>
import functools

import jax
import jax.numpy as jnp
from jax import lax
from jax.experimental import pallas as pl
from jax.experimental.pallas import tpu as pltpu
from jax.experimental.pallas import tpu_sc as plsc

_N = 5000
_B = 512
_NB = 10
_NPAD = _B * _NB
_IOU_TH = 0.4
_SCORE_TH = 0.3

_D = 16
_NW = 32
_RPW = _NPAD // _NW
_CH = _RPW // 2


@functools.partial(
    pl.kernel,
    out_type=jax.ShapeDtypeStruct((_NPAD, _D), jnp.float32),
    mesh=plsc.VectorSubcoreMesh(core_axis_name="c", subcore_axis_name="s"),
    compiler_params=pltpu.CompilerParams(use_tc_tiling_on_sc=False),
    scratch_types=[
        pltpu.VMEM((_RPW,), jnp.int32),
        pltpu.VMEM((_RPW, _D), jnp.float32),
        pltpu.SemaphoreType.DMA,
    ],
)
def _sc_gather(feat_hbm, idx_hbm, out_hbm, idx_v, rows_v, sem):
    wid = lax.axis_index("s") * 2 + lax.axis_index("c")
    base = wid * _RPW
    pltpu.sync_copy(idx_hbm.at[pl.ds(base, _RPW)], idx_v)
    cp0 = pltpu.async_copy(feat_hbm.at[idx_v.at[pl.ds(0, _CH)]],
                           rows_v.at[pl.ds(0, _CH)], sem)
    cp1 = pltpu.async_copy(feat_hbm.at[idx_v.at[pl.ds(_CH, _CH)]],
                           rows_v.at[pl.ds(_CH, _CH)], sem)
    cp0.wait()
    cp1.wait()
    pltpu.sync_copy(rows_v, out_hbm.at[pl.ds(base, _RPW)])


def _iou_gt(rows_bcast, cm):
    x1a, y1a, x2a, y2a, aa = rows_bcast
    x1b, y1b, x2b, y2b, ab = (cm[0:1, :], cm[1:2, :], cm[2:3, :],
                              cm[3:4, :], cm[4:5, :])
    w = jnp.maximum(jnp.minimum(x2a, x2b) - jnp.maximum(x1a, x1b), 0.0)
    h = jnp.maximum(jnp.minimum(y2a, y2b) - jnp.maximum(y1a, y1b), 0.0)
    inter = w * h
    union = aa + ab - inter
    iou = inter / (union + 1e-6)
    return (iou > _IOU_TH).astype(jnp.float32)


def _nms_body(rows_ref, cols_ref, keep_ref):
    keep_ref[...] = jnp.ones((_NB, 1, _B), jnp.float32)
    ii = jax.lax.broadcasted_iota(jnp.int32, (_B, _B), 0)
    jj = jax.lax.broadcasted_iota(jnp.int32, (_B, _B), 1)
    tri = (ii < jj).astype(jnp.float32)

    def block_step(k, carry):
        rk = rows_ref[k]
        rb = tuple(jnp.broadcast_to(rk[:, c:c + 1], (_B, _B))
                   for c in range(5))
        m_kk = _iou_gt(rb, cols_ref[k]) * tri
        k_init = keep_ref[k]

        def fp_cond(c):
            return c[1]

        def fp_body(c):
            kv, _ = c
            sup = jnp.dot(kv, m_kk, preferred_element_type=jnp.float32)
            k1 = k_init * (sup == 0.0).astype(jnp.float32)
            sup2 = jnp.dot(k1, m_kk, preferred_element_type=jnp.float32)
            k2 = k_init * (sup2 == 0.0).astype(jnp.float32)
            return k2, jnp.sum(jnp.abs(k2 - k1)) > 0.0

        kv, _ = jax.lax.while_loop(fp_cond, fp_body,
                                   (k_init, jnp.asarray(True)))
        keep_ref[k] = kv

        def suppress(m):
            sup = jnp.dot(kv, _iou_gt(rb, cols_ref[m]),
                          preferred_element_type=jnp.float32)
            keep_ref[m] = keep_ref[m] * (sup == 0.0).astype(jnp.float32)

        def later4(t, inner):
            m0 = k + 1 + 4 * t
            for d in range(4):
                suppress(m0 + d)
            return inner

        def later1(m, inner):
            suppress(m)
            return inner

        cnt = _NB - 1 - k
        full = cnt // 4
        jax.lax.fori_loop(0, full, later4, 0)
        jax.lax.fori_loop(k + 1 + 4 * full, _NB, later1, 0)
        return carry

    jax.lax.fori_loop(0, _NB, block_step, 0)

    def thresh(k, carry):
        keep_ref[k] = keep_ref[k] * (
            cols_ref[k][5:6, :] > _SCORE_TH).astype(jnp.float32)
        return carry

    jax.lax.fori_loop(0, _NB, thresh, 0)


def kernel(boxes, scores):
    order = jnp.argsort(-scores)
    area = (boxes[:, 2] - boxes[:, 0]) * (boxes[:, 3] - boxes[:, 1])
    feat_u = jnp.concatenate(
        [boxes, area[:, None], scores[:, None],
         jnp.zeros((_N, _D - 6), jnp.float32)], axis=1)
    feat_u = jnp.concatenate(
        [feat_u, jnp.zeros((_NPAD - _N, _D), jnp.float32)], axis=0)
    order_pad = jnp.concatenate(
        [order.astype(jnp.int32), jnp.arange(_N, _NPAD, dtype=jnp.int32)])
    feat16 = _sc_gather(feat_u, order_pad)
    b = feat16[:_N, 0:4]
    s = feat16[:_N, 5]
    feat = feat16[:, 0:8]
    rows = feat.reshape(_NB, _B, 8)
    cols = jnp.transpose(rows, (0, 2, 1))
    keep = pl.pallas_call(
        _nms_body,
        out_shape=jax.ShapeDtypeStruct((_NB, 1, _B), jnp.float32),
    )(rows, cols)
    kf = keep.reshape(_NPAD)[:_N]
    return jnp.concatenate([b * kf[:, None], (s * kf)[:, None]], axis=1)

# --- scband reference (transcript-rebuilt; emitter-appended) ---
"""Pipeline reference for scband-unet-with-box-det-38628935860251 (READ-ONLY COPY).

The authoritative reference and input builder live on the scoring server;
editing this copy changes nothing except your own understanding.
"""

import jax, jax.numpy as jnp
import numpy as np

N = 5000
IOU_TH = 0.4
SCORE_TH = 0.3


def setup_inputs(seed: int = 0) -> dict:
    key = jax.random.key(seed)
    k1, k2, k3 = jax.random.split(key, 3)
    # build valid xyxy boxes inside a ~576px image
    xy = jax.random.uniform(k1, (N, 2), dtype=jnp.float32) * 480.0
    wh = jax.random.uniform(k2, (N, 2), dtype=jnp.float32) * 96.0 + 8.0
    boxes = jnp.concatenate([xy, xy + wh], axis=1).astype(jnp.float32)
    scores = jax.random.uniform(k3, (N,), dtype=jnp.float32)
    return {"boxes": boxes, "scores": scores}


def _pairwise_iou(a, b):
    area_a = (a[:, 2] - a[:, 0]) * (a[:, 3] - a[:, 1])
    area_b = (b[:, 2] - b[:, 0]) * (b[:, 3] - b[:, 1])
    lt = jnp.maximum(a[:, None, :2], b[None, :, :2])
    rb = jnp.minimum(a[:, None, 2:], b[None, :, 2:])
    wh = jnp.clip(rb - lt, 0.0)
    inter = wh[..., 0] * wh[..., 1]
    union = area_a[:, None] + area_b[None, :] - inter
    return inter / (union + 1e-6)


def reference(boxes, scores):
    # greedy NMS, faithful to torchvision-style nms used by the detector head:
    # sort by score desc, suppress lower-ranked boxes with IoU > threshold,
    # then apply the score threshold (nms_score_threshold=0.3, nms_iou_threshold=0.4)
    order = jnp.argsort(-scores)
    b = jnp.take(boxes, order, axis=0)
    s = jnp.take(scores, order, axis=0)
    iou = _pairwise_iou(b, b)
    n = b.shape[0]
    idx = jnp.arange(n)

    def body(i, keep):
        active = keep[i]
        suppress = active & (iou[i] > IOU_TH) & (idx > i)
        return keep & (~suppress)

    keep = jax.lax.fori_loop(0, n, body, jnp.ones((n,), dtype=bool))
    keep = keep & (s > SCORE_TH)
    kf = keep.astype(b.dtype)
    # return kept detections as [N, 5] (x1, y1, x2, y2, score), zeroed if suppressed
    out = jnp.concatenate([b * kf[:, None], (s * kf)[:, None]], axis=1)
    return out

if __name__ == "__main__":
    import jax
    _d = setup_inputs()
    print(jax.jit(kernel)(*tuple(_d.values())))

</pallas_src>

<mosaic_0001>
#map = affine_map<(d0, d1) -> (0, 0)>
#map1 = affine_map<(d0, d1) -> (0)>
module attributes {stable_mosaic.version = 14 : i64} {
  func.func @_sc_gather(%arg0: i32, %arg1: i32, %arg2: memref<5120x16xf32, #tpu.memory_space<hbm>>, %arg3: memref<5120xi32, #tpu.memory_space<hbm>>, %arg4: memref<5120x16xf32, #tpu.memory_space<hbm>>, %arg5: memref<160xi32, #tpu.memory_space<vmem>>, %arg6: memref<160x16xf32, #tpu.memory_space<vmem>>, %arg7: memref<!tpu.dma_semaphore, #tpu.memory_space<semaphore_mem>>) attributes {dimension_semantics = [#tpu.dimension_semantics<core_parallel>, #tpu.dimension_semantics<subcore_parallel>], iteration_bounds = array<i64: 2, 16>, scalar_prefetch = 0 : i64, scratch_operands = 3 : i64, tpu.core_type = #tpu.core_type<sc_vector_subcore>, window_params = [{transform_indices = #map}, {transform_indices = #map1}, {transform_indices = #map}]} {
    %mul3A = arith.constant 2 : i32
    %mul3A_0 = arith.muli %arg1, %mul3A : i32
    %add3A = arith.addi %mul3A_0, %arg0 : i32
    %mul3A_1 = arith.constant 160 : i32
    %mul3A_2 = arith.muli %add3A, %mul3A_1 : i32
    "tpu.region"() ({
      %run_scoped3A = tpu.sem_alloc : memref<!tpu.dma_semaphore, #tpu.memory_space<semaphore_mem>>
      %dma_start3A_33 = tpu.memref_slice %arg3[%mul3A_2] : memref<5120xi32, #tpu.memory_space<hbm>> -> memref<160xi32, #tpu.memory_space<hbm>>
      %dma_start3A_34 = tpu.memref_slice %arg3[%mul3A_2] : memref<5120xi32, #tpu.memory_space<hbm>> -> memref<160xi32, #tpu.memory_space<hbm>>
      tpu.enqueue_dma source(%dma_start3A_34 : memref<160xi32, #tpu.memory_space<hbm>>) target(%arg5 : memref<160xi32, #tpu.memory_space<vmem>>) target_semaphore(%run_scoped3A : memref<!tpu.dma_semaphore, #tpu.memory_space<semaphore_mem>>)
      %dma_wait3A_35 = tpu.memref_slice %arg3[%mul3A_2] : memref<5120xi32, #tpu.memory_space<hbm>> -> memref<160xi32, #tpu.memory_space<hbm>>
      %dma_wait3A_36 = tpu.memref_slice %arg3[%mul3A_2] : memref<5120xi32, #tpu.memory_space<hbm>> -> memref<160xi32, #tpu.memory_space<hbm>>
      tpu.wait_dma2 semaphore(%run_scoped3A : memref<!tpu.dma_semaphore, #tpu.memory_space<semaphore_mem>>) src(%dma_wait3A_36 : memref<160xi32, #tpu.memory_space<hbm>>) dst(%arg5 : memref<160xi32, #tpu.memory_space<vmem>>)
      tpu.yield
    }) : () -> ()
    %dma_start3A = arith.constant 0 : i32
    %dma_start3A_3 = arith.constant 0 : i32
    %dma_start3A_4 = tpu.memref_slice %arg6[%dma_start3A, %dma_start3A_3] : memref<160x16xf32, #tpu.memory_space<vmem>> -> memref<80x16xf32, #tpu.memory_space<vmem>>
    %dma_start3A_5 = arith.constant 0 : i32
    %dma_start3A_6 = tpu.memref_slice %arg5[%dma_start3A_5] : memref<160xi32, #tpu.memory_space<vmem>> -> memref<80xi32, #tpu.memory_space<vmem>>
    %dma_start3A_7 = arith.constant 0 : i32
    %dma_start3A_8 = arith.constant 0 : i32
    %dma_start3A_9 = tpu.memref_slice %arg2[%dma_start3A_7, %dma_start3A_8] : memref<5120x16xf32, #tpu.memory_space<hbm>> -> memref<5120x16xf32, #tpu.memory_space<hbm>>
    tpu.enqueue_indirect_dma source(%dma_start3A_9 : memref<5120x16xf32, #tpu.memory_space<hbm>>) target(%dma_start3A_4 : memref<80x16xf32, #tpu.memory_space<vmem>>) offsets(%dma_start3A_6 : memref<80xi32, #tpu.memory_space<vmem>>) semaphore(%arg7 : memref<!tpu.dma_semaphore, #tpu.memory_space<semaphore_mem>>)
    %dma_start3A_10 = arith.constant 80 : i32
    %dma_start3A_11 = arith.constant 0 : i32
    %dma_start3A_12 = tpu.memref_slice %arg6[%dma_start3A_10, %dma_start3A_11] : memref<160x16xf32, #tpu.memory_space<vmem>> -> memref<80x16xf32, #tpu.memory_space<vmem>>
    %dma_start3A_13 = arith.constant 80 : i32
    %dma_start3A_14 = tpu.memref_slice %arg5[%dma_start3A_13] : memref<160xi32, #tpu.memory_space<vmem>> -> memref<80xi32, #tpu.memory_space<vmem>>
    %dma_start3A_15 = arith.constant 0 : i32
    %dma_start3A_16 = arith.constant 0 : i32
    %dma_start3A_17 = tpu.memref_slice %arg2[%dma_start3A_15, %dma_start3A_16] : memref<5120x16xf32, #tpu.memory_space<hbm>> -> memref<5120x16xf32, #tpu.memory_space<hbm>>
    tpu.enqueue_indirect_dma source(%dma_start3A_17 : memref<5120x16xf32, #tpu.memory_space<hbm>>) target(%dma_start3A_12 : memref<80x16xf32, #tpu.memory_space<vmem>>) offsets(%dma_start3A_14 : memref<80xi32, #tpu.memory_space<vmem>>) semaphore(%arg7 : memref<!tpu.dma_semaphore, #tpu.memory_space<semaphore_mem>>)
    %dma_wait3A = arith.constant 0 : i32
    %dma_wait3A_18 = arith.constant 0 : i32
    %dma_wait3A_19 = tpu.memref_slice %arg6[%dma_wait3A, %dma_wait3A_18] : memref<160x16xf32, #tpu.memory_space<vmem>> -> memref<80x16xf32, #tpu.memory_space<vmem>>
    %dma_wait3A_20 = arith.constant 0 : i32
    %dma_wait3A_21 = tpu.memref_slice %arg5[%dma_wait3A_20] : memref<160xi32, #tpu.memory_space<vmem>> -> memref<80xi32, #tpu.memory_space<vmem>>
    %dma_wait3A_22 = arith.constant 0 : i32
    %dma_wait3A_23 = arith.constant 0 : i32
    %dma_wait3A_24 = tpu.memref_slice %arg2[%dma_wait3A_22, %dma_wait3A_23] : memref<5120x16xf32, #tpu.memory_space<hbm>> -> memref<5120x16xf32, #tpu.memory_space<hbm>>
    tpu.wait_indirect_dma semaphore(%arg7 : memref<!tpu.dma_semaphore, #tpu.memory_space<semaphore_mem>>) src(%dma_wait3A_24 : memref<5120x16xf32, #tpu.memory_space<hbm>>) dst(%dma_wait3A_19 : memref<80x16xf32, #tpu.memory_space<vmem>>)
    %dma_wait3A_25 = arith.constant 80 : i32
    %dma_wait3A_26 = arith.constant 0 : i32
    %dma_wait3A_27 = tpu.memref_slice %arg6[%dma_wait3A_25, %dma_wait3A_26] : memref<160x16xf32, #tpu.memory_space<vmem>> -> memref<80x16xf32, #tpu.memory_space<vmem>>
    %dma_wait3A_28 = arith.constant 80 : i32
    %dma_wait3A_29 = tpu.memref_slice %arg5[%dma_wait3A_28] : memref<160xi32, #tpu.memory_space<vmem>> -> memref<80xi32, #tpu.memory_space<vmem>>
    %dma_wait3A_30 = arith.constant 0 : i32
    %dma_wait3A_31 = arith.constant 0 : i32
    %dma_wait3A_32 = tpu.memref_slice %arg2[%dma_wait3A_30, %dma_wait3A_31] : memref<5120x16xf32, #tpu.memory_space<hbm>> -> memref<5120x16xf32, #tpu.memory_space<hbm>>
    tpu.wait_indirect_dma semaphore(%arg7 : memref<!tpu.dma_semaphore, #tpu.memory_space<semaphore_mem>>) src(%dma_wait3A_32 : memref<5120x16xf32, #tpu.memory_space<hbm>>) dst(%dma_wait3A_27 : memref<80x16xf32, #tpu.memory_space<vmem>>)
    "tpu.region"() ({
      %run_scoped3A = tpu.sem_alloc : memref<!tpu.dma_semaphore, #tpu.memory_space<semaphore_mem>>
      %dma_start3A_33 = arith.constant 0 : i32
      %dma_start3A_34 = tpu.memref_slice %arg4[%mul3A_2, %dma_start3A_33] : memref<5120x16xf32, #tpu.memory_space<hbm>> -> memref<160x16xf32, #tpu.memory_space<hbm>>
      %dma_start3A_35 = arith.constant 0 : i32
      %dma_start3A_36 = tpu.memref_slice %arg4[%mul3A_2, %dma_start3A_35] : memref<5120x16xf32, #tpu.memory_space<hbm>> -> memref<160x16xf32, #tpu.memory_space<hbm>>
      tpu.enqueue_dma source(%arg6 : memref<160x16xf32, #tpu.memory_space<vmem>>) target(%dma_start3A_36 : memref<160x16xf32, #tpu.memory_space<hbm>>) target_semaphore(%run_scoped3A : memref<!tpu.dma_semaphore, #tpu.memory_space<semaphore_mem>>)
      %dma_wait3A_37 = arith.constant 0 : i32
      %dma_wait3A_38 = tpu.memref_slice %arg4[%mul3A_2, %dma_wait3A_37] : memref<5120x16xf32, #tpu.memory_space<hbm>> -> memref<160x16xf32, #tpu.memory_space<hbm>>
      %dma_wait3A_39 = arith.constant 0 : i32
      %dma_wait3A_40 = tpu.memref_slice %arg4[%mul3A_2, %dma_wait3A_39] : memref<5120x16xf32, #tpu.memory_space<hbm>> -> memref<160x16xf32, #tpu.memory_space<hbm>>
      tpu.wait_dma2 semaphore(%run_scoped3A : memref<!tpu.dma_semaphore, #tpu.memory_space<semaphore_mem>>) src(%arg6 : memref<160x16xf32, #tpu.memory_space<vmem>>) dst(%dma_wait3A_40 : memref<160x16xf32, #tpu.memory_space<hbm>>)
      tpu.yield
    }) : () -> ()
    return
  }
}

module attributes {stable_mosaic.version = 14 : i64} {
  func.func @_nms_body(%arg0: memref<10x512x8xf32, #tpu.memory_space<vmem>>, %arg1: memref<10x8x512xf32, #tpu.memory_space<vmem>>, %arg2: memref<10x1x512xf32, #tpu.memory_space<vmem>>) attributes {dimension_semantics = [], scalar_prefetch = 0 : i64, scratch_operands = 0 : i64, tpu.core_type = #tpu.core_type<tc>} {
    %broadcast_in_dim3A = arith.constant 1.000000e+00 : f32
    %broadcast_in_dim3A_0 = vector.broadcast %broadcast_in_dim3A : f32 to vector<10x1x512xf32>
    %swap3A = arith.constant 0 : index
    %swap3A_1 = arith.constant 0 : index
    %swap3A_2 = arith.constant 0 : index
    %swap3A_3 = vector.load %arg2[%swap3A, %swap3A_1, %swap3A_2] : memref<10x1x512xf32, #tpu.memory_space<vmem>>, vector<10x1x512xf32>
    tpu.vector_store %arg2[%swap3A, %swap3A_1, %swap3A_2], %broadcast_in_dim3A_0 {strides = array<i32>} : memref<10x1x512xf32, #tpu.memory_space<vmem>>, vector<10x1x512xf32>,
    %iota3A = tpu.iota {dimensions = array<i32: 0>} : vector<512x512xi32>
    %iota3A_4 = tpu.iota {dimensions = array<i32: 1>} : vector<512x512xi32>
    %lt3A = arith.cmpi slt, %iota3A, %iota3A_4 : vector<512x512xi32>
    %convert_element_type3A = arith.extui %lt3A : vector<512x512xi1> to vector<512x512xi32>
    %convert_element_type3A_5 = arith.sitofp %convert_element_type3A : vector<512x512xi32> to vector<512x512xf32>
    %scan3A = arith.constant 0 : i32
    %scan3A_6 = arith.constant 10 : i32
    %scan3A_7 = arith.addi %scan3A, %scan3A_6 : i32
    %scan3A_8 = arith.constant 1 : i32
    scf.for %scan3A_15 = %scan3A to %scan3A_7 step %scan3A_8  : i32 {
      %get3A = arith.index_cast %scan3A_15 : i32 to index
      %get3A_16 = arith.constant 0 : index
      %get3A_17 = arith.constant 0 : index
      %get3A_18 = vector.load %arg0[%get3A, %get3A_16, %get3A_17] : memref<10x512x8xf32, #tpu.memory_space<vmem>>, vector<1x512x8xf32>
      %get3A_19 = vector.shape_cast %get3A_18 : vector<1x512x8xf32> to vector<512x8xf32>
      %slice3A = vector.extract_strided_slice %get3A_19 {offsets = [0, 0], sizes = [512, 1], strides = [1, 1]} : vector<512x8xf32> to vector<512x1xf32>
      %broadcast_in_dim3A_20 = vector.shape_cast %slice3A : vector<512x1xf32> to vector<512x1xf32>
      %broadcast_in_dim3A_21 = vector.broadcast %broadcast_in_dim3A_20 : vector<512x1xf32> to vector<512x512xf32>
      %slice3A_22 = vector.extract_strided_slice %get3A_19 {offsets = [0, 1], sizes = [512, 1], strides = [1, 1]} : vector<512x8xf32> to vector<512x1xf32>
      %broadcast_in_dim3A_23 = vector.shape_cast %slice3A_22 : vector<512x1xf32> to vector<512x1xf32>
      %broadcast_in_dim3A_24 = vector.broadcast %broadcast_in_dim3A_23 : vector<512x1xf32> to vector<512x512xf32>
      %slice3A_25 = vector.extract_strided_slice %get3A_19 {offsets = [0, 2], sizes = [512, 1], strides = [1, 1]} : vector<512x8xf32> to vector<512x1xf32>
      %broadcast_in_dim3A_26 = vector.shape_cast %slice3A_25 : vector<512x1xf32> to vector<512x1xf32>
      %broadcast_in_dim3A_27 = vector.broadcast %broadcast_in_dim3A_26 : vector<512x1xf32> to vector<512x512xf32>
      %slice3A_28 = vector.extract_strided_slice %get3A_19 {offsets = [0, 3], sizes = [512, 1], strides = [1, 1]} : vector<512x8xf32> to vector<512x1xf32>
      %broadcast_in_dim3A_29 = vector.shape_cast %slice3A_28 : vector<512x1xf32> to vector<512x1xf32>
      %broadcast_in_dim3A_30 = vector.broadcast %broadcast_in_dim3A_29 : vector<512x1xf32> to vector<512x512xf32>
      %slice3A_31 = vector.extract_strided_slice %get3A_19 {offsets = [0, 4], sizes = [512, 1], strides = [1, 1]} : vector<512x8xf32> to vector<512x1xf32>
      %broadcast_in_dim3A_32 = vector.shape_cast %slice3A_31 : vector<512x1xf32> to vector<512x1xf32>
      %broadcast_in_dim3A_33 = vector.broadcast %broadcast_in_dim3A_32 : vector<512x1xf32> to vector<512x512xf32>
      %get3A_34 = arith.index_cast %scan3A_15 : i32 to index
      %get3A_35 = arith.constant 0 : index
      %get3A_36 = arith.constant 0 : index
      %get3A_37 = vector.load %arg1[%get3A_34, %get3A_35, %get3A_36] : memref<10x8x512xf32, #tpu.memory_space<vmem>>, vector<1x8x512xf32>
      %get3A_38 = vector.shape_cast %get3A_37 : vector<1x8x512xf32> to vector<8x512xf32>
      %slice3A_39 = vector.extract_strided_slice %get3A_38 {offsets = [0, 0], sizes = [1, 512], strides = [1, 1]} : vector<8x512xf32> to vector<1x512xf32>
      %slice3A_40 = vector.extract_strided_slice %get3A_38 {offsets = [1, 0], sizes = [1, 512], strides = [1, 1]} : vector<8x512xf32> to vector<1x512xf32>
      %slice3A_41 = vector.extract_strided_slice %get3A_38 {offsets = [2, 0], sizes = [1, 512], strides = [1, 1]} : vector<8x512xf32> to vector<1x512xf32>
      %slice3A_42 = vector.extract_strided_slice %get3A_38 {offsets = [3, 0], sizes = [1, 512], strides = [1, 1]} : vector<8x512xf32> to vector<1x512xf32>
      %slice3A_43 = vector.extract_strided_slice %get3A_38 {offsets = [4, 0], sizes = [1, 512], strides = [1, 1]} : vector<8x512xf32> to vector<1x512xf32>
      %min3A = vector.broadcast %slice3A_41 : vector<1x512xf32> to vector<512x512xf32>
      %min3A_44 = arith.minimumf %broadcast_in_dim3A_27, %min3A : vector<512x512xf32>
      %max3A = vector.broadcast %slice3A_39 : vector<1x512xf32> to vector<512x512xf32>
      %max3A_45 = arith.maximumf %broadcast_in_dim3A_21, %max3A : vector<512x512xf32>
      %sub3A = arith.subf %min3A_44, %max3A_45 : vector<512x512xf32>
      %max3A_46 = arith.constant 0.000000e+00 : f32
      %max3A_47 = vector.broadcast %max3A_46 : f32 to vector<512x512xf32>
      %max3A_48 = arith.maximumf %sub3A, %max3A_47 : vector<512x512xf32>
      %min3A_49 = vector.broadcast %slice3A_42 : vector<1x512xf32> to vector<512x512xf32>
      %min3A_50 = arith.minimumf %broadcast_in_dim3A_30, %min3A_49 : vector<512x512xf32>
      %max3A_51 = vector.broadcast %slice3A_40 : vector<1x512xf32> to vector<512x512xf32>
      %max3A_52 = arith.maximumf %broadcast_in_dim3A_24, %max3A_51 : vector<512x512xf32>
      %sub3A_53 = arith.subf %min3A_50, %max3A_52 : vector<512x512xf32>
      %max3A_54 = arith.constant 0.000000e+00 : f32
      %max3A_55 = vector.broadcast %max3A_54 : f32 to vector<512x512xf32>
      %max3A_56 = arith.maximumf %sub3A_53, %max3A_55 : vector<512x512xf32>
      %mul3A = arith.mulf %max3A_48, %max3A_56 : vector<512x512xf32>
      %add3A = vector.broadcast %slice3A_43 : vector<1x512xf32> to vector<512x512xf32>
      %add3A_57 = arith.addf %broadcast_in_dim3A_33, %add3A : vector<512x512xf32>
      %sub3A_58 = arith.subf %add3A_57, %mul3A : vector<512x512xf32>
      %add3A_59 = arith.constant 9.99999997E-7 : f32
      %add3A_60 = vector.broadcast %add3A_59 : f32 to vector<512x512xf32>
      %add3A_61 = arith.addf %sub3A_58, %add3A_60 : vector<512x512xf32>
      %div3A = arith.divf %mul3A, %add3A_61 : vector<512x512xf32>
      %gt3A = arith.constant 4.000000e-01 : f32
      %gt3A_62 = vector.broadcast %gt3A : f32 to vector<512x512xf32>
      %gt3A_63 = arith.cmpf ogt, %div3A, %gt3A_62 : vector<512x512xf32>
      %convert_element_type3A_64 = arith.extui %gt3A_63 : vector<512x512xi1> to vector<512x512xi32>
      %convert_element_type3A_65 = arith.sitofp %convert_element_type3A_64 : vector<512x512xi32> to vector<512x512xf32>
      %mul3A_66 = arith.mulf %convert_element_type3A_65, %convert_element_type3A_5 : vector<512x512xf32>
      %get3A_67 = arith.index_cast %scan3A_15 : i32 to index
      %get3A_68 = arith.constant 0 : index
      %get3A_69 = arith.constant 0 : index
      %get3A_70 = vector.load %arg2[%get3A_67, %get3A_68, %get3A_69] : memref<10x1x512xf32, #tpu.memory_space<vmem>>, vector<1x1x512xf32>
      %get3A_71 = vector.shape_cast %get3A_70 : vector<1x1x512xf32> to vector<1x512xf32>
      %while3A = arith.constant true
      %while3A_72:2 = scf.while (%while3A_124 = %get3A_71, %while3A_125 = %while3A) : (vector<1x512xf32>, i1) -> (vector<1x512xf32>, i1) {
        scf.condition(%while3A_125) %while3A_124, %while3A_125 : vector<1x512xf32>, i1
      } do {
      ^bb0(%while3A_124: vector<1x512xf32>, %while3A_125: i1):
        %dot_general3A = arith.constant dense<0.000000e+00> : vector<1x512xf32>
        %dot_general3A_126 = tpu.matmul %while3A_124, %mul3A_66, %dot_general3A {dimension_numbers = #tpu.dot_dimension_numbers<[1], [0], [0], [1], [0, 0, 1, 1], [], []>, transpose_lhs_hint = false} : vector<1x512xf32>, vector<512x512xf32>, vector<1x512xf32> -> vector<1x512xf32>
        %eq3A = arith.constant 0.000000e+00 : f32
        %eq3A_127 = vector.broadcast %eq3A : f32 to vector<1x512xf32>
        %eq3A_128 = arith.cmpf oeq, %dot_general3A_126, %eq3A_127 : vector<1x512xf32>
        %convert_element_type3A_129 = arith.extui %eq3A_128 : vector<1x512xi1> to vector<1x512xi32>
        %convert_element_type3A_130 = arith.sitofp %convert_element_type3A_129 : vector<1x512xi32> to vector<1x512xf32>
        %mul3A_131 = arith.mulf %get3A_71, %convert_element_type3A_130 : vector<1x512xf32>
        %dot_general3A_132 = arith.constant dense<0.000000e+00> : vector<1x512xf32>
        %dot_general3A_133 = tpu.matmul %mul3A_131, %mul3A_66, %dot_general3A_132 {dimension_numbers = #tpu.dot_dimension_numbers<[1], [0], [0], [1], [0, 0, 1, 1], [], []>, transpose_lhs_hint = false} : vector<1x512xf32>, vector<512x512xf32>, vector<1x512xf32> -> vector<1x512xf32>
        %eq3A_134 = arith.constant 0.000000e+00 : f32
        %eq3A_135 = vector.broadcast %eq3A_134 : f32 to vector<1x512xf32>
        %eq3A_136 = arith.cmpf oeq, %dot_general3A_133, %eq3A_135 : vector<1x512xf32>
        %convert_element_type3A_137 = arith.extui %eq3A_136 : vector<1x512xi1> to vector<1x512xi32>
        %convert_element_type3A_138 = arith.sitofp %convert_element_type3A_137 : vector<1x512xi32> to vector<1x512xf32>
        %mul3A_139 = arith.mulf %get3A_71, %convert_element_type3A_138 : vector<1x512xf32>
        %sub3A_140 = arith.subf %mul3A_139, %mul3A_131 : vector<1x512xf32>
        %abs3A = math.absf %sub3A_140 : vector<1x512xf32>
        %reduce_sum3A = vector.shape_cast %abs3A : vector<1x512xf32> to vector<1x1x512xf32>
        %reduce_sum3A_141 = arith.constant dense<0.000000e+00> : vector<1xf32>
        %reduce_sum3A_142 = vector.multi_reduction <add>, %reduce_sum3A, %reduce_sum3A_141 [1, 2] : vector<1x1x512xf32> to vector<1xf32>
        %reduce_sum3A_143 = vector.shape_cast %reduce_sum3A_142 : vector<1xf32> to vector<1x1x1xf32>
        %reduce_sum3A_144 = vector.extract %reduce_sum3A_143[0, 0, 0] : f32 from vector<1x1x1xf32>
        %gt3A_145 = arith.constant 0.000000e+00 : f32
        %gt3A_146 = arith.cmpf ogt, %reduce_sum3A_144, %gt3A_145 : f32
        scf.yield %mul3A_139, %gt3A_146 : vector<1x512xf32>, i1
      }
      %swap3A_73 = arith.index_cast %scan3A_15 : i32 to index
      %swap3A_74 = arith.constant 0 : index
      %swap3A_75 = arith.constant 0 : index
      %swap3A_76 = vector.load %arg2[%swap3A_73, %swap3A_74, %swap3A_75] : memref<10x1x512xf32, #tpu.memory_space<vmem>>, vector<1x1x512xf32>
      %swap3A_77 = vector.shape_cast %swap3A_76 : vector<1x1x512xf32> to vector<1x512xf32>
      %swap3A_78 = vector.shape_cast %while3A_72#0 : vector<1x512xf32> to vector<1x1x512xf32>
      tpu.vector_store %arg2[%swap3A_73, %swap3A_74, %swap3A_75], %swap3A_78 {strides = array<i32>} : memref<10x1x512xf32, #tpu.memory_space<vmem>>, vector<1x1x512xf32>,
      %sub3A_79 = arith.constant 9 : i32
      %sub3A_80 = arith.subi %sub3A_79, %scan3A_15 : i32
      %jit3A = arith.constant 4 : i32
      %div3A_81 = arith.divsi %sub3A_80, %jit3A : i32
      %sign3A = arith.constant 0 : i32
      %sign3A_82 = arith.cmpi sgt, %sub3A_80, %sign3A : i32
      %sign3A_83 = arith.extui %sign3A_82 : i1 to i32
      %sign3A_84 = arith.constant 0 : i32
      %sign3A_85 = arith.cmpi slt, %sub3A_80, %sign3A_84 : i32
      %sign3A_86 = arith.extui %sign3A_85 : i1 to i32
      %sign3A_87 = arith.subi %sign3A_83, %sign3A_86 : i32
      %sign3A_88 = arith.constant 0 : i32
      %sign3A_89 = arith.cmpi sgt, %jit3A, %sign3A_88 : i32
      %sign3A_90 = arith.extui %sign3A_89 : i1 to i32
      %sign3A_91 = arith.constant 0 : i32
      %sign3A_92 = arith.cmpi slt, %jit3A, %sign3A_91 : i32
      %sign3A_93 = arith.extui %sign3A_92 : i1 to i32
      %sign3A_94 = arith.subi %sign3A_90, %sign3A_93 : i32
      %ne3A = arith.cmpi ne, %sign3A_87, %sign3A_94 : i32
      %rem3A = arith.remsi %sub3A_80, %jit3A : i32
      %ne3A_95 = arith.constant 0 : i32
      %ne3A_96 = arith.cmpi ne, %rem3A, %ne3A_95 : i32
      %and3A = arith.andi %ne3A, %ne3A_96 : i1
      %sub3A_97 = arith.constant 1 : i32
      %sub3A_98 = arith.subi %div3A_81, %sub3A_97 : i32
      %select_n3A = arith.select %and3A, %sub3A_98, %div3A_81 : i32
      %while3A_99 = arith.constant 0 : i32
      %while3A_100 = arith.constant 0 : i32
      %while3A_101 = arith.subi %select_n3A, %while3A_100 : i32
      %while3A_102 = arith.addi %while3A_100, %while3A_101 : i32
      %while3A_103 = arith.constant 1 : i32
      %while3A_104 = arith.divsi %while3A_101, %while3A_103 : i32
      %while3A_105 = arith.muli %while3A_104, %while3A_103 : i32
      %while3A_106 = arith.addi %while3A_100, %while3A_105 : i32
      %while3A_107 = arith.constant 1 : i32
      scf.for %while3A_124 = %while3A_100 to %while3A_106 step %while3A_107  : i32 {
        %add3A_125 = arith.constant 1 : i32
        %add3A_126 = arith.addi %scan3A_15, %add3A_125 : i32
        %mul3A_127 = arith.constant 4 : i32
        %mul3A_128 = arith.muli %mul3A_127, %while3A_124 : i32
        %add3A_129 = arith.addi %add3A_126, %mul3A_128 : i32
        %add3A_130 = arith.constant 0 : i32
        %add3A_131 = arith.addi %add3A_129, %add3A_130 : i32
        %get3A_132 = arith.index_cast %add3A_131 : i32 to index
        %get3A_133 = arith.constant 0 : index
        %get3A_134 = arith.constant 0 : index
        %get3A_135 = vector.load %arg1[%get3A_132, %get3A_133, %get3A_134] : memref<10x8x512xf32, #tpu.memory_space<vmem>>, vector<1x8x512xf32>
        %get3A_136 = vector.shape_cast %get3A_135 : vector<1x8x512xf32> to vector<8x512xf32>
        %slice3A_137 = vector.extract_strided_slice %get3A_136 {offsets = [0, 0], sizes = [1, 512], strides = [1, 1]} : vector<8x512xf32> to vector<1x512xf32>
        %slice3A_138 = vector.extract_strided_slice %get3A_136 {offsets = [1, 0], sizes = [1, 512], strides = [1, 1]} : vector<8x512xf32> to vector<1x512xf32>
        %slice3A_139 = vector.extract_strided_slice %get3A_136 {offsets = [2, 0], sizes = [1, 512], strides = [1, 1]} : vector<8x512xf32> to vector<1x512xf32>
        %slice3A_140 = vector.extract_strided_slice %get3A_136 {offsets = [3, 0], sizes = [1, 512], strides = [1, 1]} : vector<8x512xf32> to vector<1x512xf32>
        %slice3A_141 = vector.extract_strided_slice %get3A_136 {offsets = [4, 0], sizes = [1, 512], strides = [1, 1]} : vector<8x512xf32> to vector<1x512xf32>
        %min3A_142 = vector.broadcast %slice3A_139 : vector<1x512xf32> to vector<512x512xf32>
        %min3A_143 = arith.minimumf %broadcast_in_dim3A_27, %min3A_142 : vector<512x512xf32>
        %max3A_144 = vector.broadcast %slice3A_137 : vector<1x512xf32> to vector<512x512xf32>
        %max3A_145 = arith.maximumf %broadcast_in_dim3A_21, %max3A_144 : vector<512x512xf32>
        %sub3A_146 = arith.subf %min3A_143, %max3A_145 : vector<512x512xf32>
        %max3A_147 = arith.constant 0.000000e+00 : f32
        %max3A_148 = vector.broadcast %max3A_147 : f32 to vector<512x512xf32>
        %max3A_149 = arith.maximumf %sub3A_146, %max3A_148 : vector<512x512xf32>
        %min3A_150 = vector.broadcast %slice3A_140 : vector<1x512xf32> to vector<512x512xf32>
        %min3A_151 = arith.minimumf %broadcast_in_dim3A_30, %min3A_150 : vector<512x512xf32>
        %max3A_152 = vector.broadcast %slice3A_138 : vector<1x512xf32> to vector<512x512xf32>
        %max3A_153 = arith.maximumf %broadcast_in_dim3A_24, %max3A_152 : vector<512x512xf32>
        %sub3A_154 = arith.subf %min3A_151, %max3A_153 : vector<512x512xf32>
        %max3A_155 = arith.constant 0.000000e+00 : f32
        %max3A_156 = vector.broadcast %max3A_155 : f32 to vector<512x512xf32>
        %max3A_157 = arith.maximumf %sub3A_154, %max3A_156 : vector<512x512xf32>
        %mul3A_158 = arith.mulf %max3A_149, %max3A_157 : vector<512x512xf32>
        %add3A_159 = vector.broadcast %slice3A_141 : vector<1x512xf32> to vector<512x512xf32>
        %add3A_160 = arith.addf %broadcast_in_dim3A_33, %add3A_159 : vector<512x512xf32>
        %sub3A_161 = arith.subf %add3A_160, %mul3A_158 : vector<512x512xf32>
        %add3A_162 = arith.constant 9.99999997E-7 : f32
        %add3A_163 = vector.broadcast %add3A_162 : f32 to vector<512x512xf32>
        %add3A_164 = arith.addf %sub3A_161, %add3A_163 : vector<512x512xf32>
        %div3A_165 = arith.divf %mul3A_158, %add3A_164 : vector<512x512xf32>
        %gt3A_166 = arith.constant 4.000000e-01 : f32
        %gt3A_167 = vector.broadcast %gt3A_166 : f32 to vector<512x512xf32>
        %gt3A_168 = arith.cmpf ogt, %div3A_165, %gt3A_167 : vector<512x512xf32>
        %convert_element_type3A_169 = arith.extui %gt3A_168 : vector<512x512xi1> to vector<512x512xi32>
        %convert_element_type3A_170 = arith.sitofp %convert_element_type3A_169 : vector<512x512xi32> to vector<512x512xf32>
        %dot_general3A = arith.constant dense<0.000000e+00> : vector<1x512xf32>
        %dot_general3A_171 = tpu.matmul %while3A_72#0, %convert_element_type3A_170, %dot_general3A {dimension_numbers = #tpu.dot_dimension_numbers<[1], [0], [0], [1], [0, 0, 1, 1], [], []>, transpose_lhs_hint = false} : vector<1x512xf32>, vector<512x512xf32>, vector<1x512xf32> -> vector<1x512xf32>
        %get3A_172 = arith.index_cast %add3A_131 : i32 to index
        %get3A_173 = arith.constant 0 : index
        %get3A_174 = arith.constant 0 : index
        %get3A_175 = vector.load %arg2[%get3A_172, %get3A_173, %get3A_174] : memref<10x1x512xf32, #tpu.memory_space<vmem>>, vector<1x1x512xf32>
        %get3A_176 = vector.shape_cast %get3A_175 : vector<1x1x512xf32> to vector<1x512xf32>
        %eq3A = arith.constant 0.000000e+00 : f32
        %eq3A_177 = vector.broadcast %eq3A : f32 to vector<1x512xf32>
        %eq3A_178 = arith.cmpf oeq, %dot_general3A_171, %eq3A_177 : vector<1x512xf32>
        %convert_element_type3A_179 = arith.extui %eq3A_178 : vector<1x512xi1> to vector<1x512xi32>
        %convert_element_type3A_180 = arith.sitofp %convert_element_type3A_179 : vector<1x512xi32> to vector<1x512xf32>
        %mul3A_181 = arith.mulf %get3A_176, %convert_element_type3A_180 : vector<1x512xf32>
        %swap3A_182 = arith.index_cast %add3A_131 : i32 to index
        %swap3A_183 = arith.constant 0 : index
        %swap3A_184 = arith.constant 0 : index
        %swap3A_185 = vector.load %arg2[%swap3A_182, %swap3A_183, %swap3A_184] : memref<10x1x512xf32, #tpu.memory_space<vmem>>, vector<1x1x512xf32>
        %swap3A_186 = vector.shape_cast %swap3A_185 : vector<1x1x512xf32> to vector<1x512xf32>
        %swap3A_187 = vector.shape_cast %mul3A_181 : vector<1x512xf32> to vector<1x1x512xf32>
        tpu.vector_store %arg2[%swap3A_182, %swap3A_183, %swap3A_184], %swap3A_187 {strides = array<i32>} : memref<10x1x512xf32, #tpu.memory_space<vmem>>, vector<1x1x512xf32>,
        %add3A_188 = arith.constant 1 : i32
        %add3A_189 = arith.addi %add3A_129, %add3A_188 : i32
        %get3A_190 = arith.index_cast %add3A_189 : i32 to index
        %get3A_191 = arith.constant 0 : index
        %get3A_192 = arith.constant 0 : index
        %get3A_193 = vector.load %arg1[%get3A_190, %get3A_191, %get3A_192] : memref<10x8x512xf32, #tpu.memory_space<vmem>>, vector<1x8x512xf32>
        %get3A_194 = vector.shape_cast %get3A_193 : vector<1x8x512xf32> to vector<8x512xf32>
        %slice3A_195 = vector.extract_strided_slice %get3A_194 {offsets = [0, 0], sizes = [1, 512], strides = [1, 1]} : vector<8x512xf32> to vector<1x512xf32>
        %slice3A_196 = vector.extract_strided_slice %get3A_194 {offsets = [1, 0], sizes = [1, 512], strides = [1, 1]} : vector<8x512xf32> to vector<1x512xf32>
        %slice3A_197 = vector.extract_strided_slice %get3A_194 {offsets = [2, 0], sizes = [1, 512], strides = [1, 1]} : vector<8x512xf32> to vector<1x512xf32>
        %slice3A_198 = vector.extract_strided_slice %get3A_194 {offsets = [3, 0], sizes = [1, 512], strides = [1, 1]} : vector<8x512xf32> to vector<1x512xf32>
        %slice3A_199 = vector.extract_strided_slice %get3A_194 {offsets = [4, 0], sizes = [1, 512], strides = [1, 1]} : vector<8x512xf32> to vector<1x512xf32>
        %min3A_200 = vector.broadcast %slice3A_197 : vector<1x512xf32> to vector<512x512xf32>
        %min3A_201 = arith.minimumf %broadcast_in_dim3A_27, %min3A_200 : vector<512x512xf32>
        %max3A_202 = vector.broadcast %slice3A_195 : vector<1x512xf32> to vector<512x512xf32>
        %max3A_203 = arith.maximumf %broadcast_in_dim3A_21, %max3A_202 : vector<512x512xf32>
        %sub3A_204 = arith.subf %min3A_201, %max3A_203 : vector<512x512xf32>
        %max3A_205 = arith.constant 0.000000e+00 : f32
        %max3A_206 = vector.broadcast %max3A_205 : f32 to vector<512x512xf32>
        %max3A_207 = arith.maximumf %sub3A_204, %max3A_206 : vector<512x512xf32>
        %min3A_208 = vector.broadcast %slice3A_198 : vector<1x512xf32> to vector<512x512xf32>
        %min3A_209 = arith.minimumf %broadcast_in_dim3A_30, %min3A_208 : vector<512x512xf32>
        %max3A_210 = vector.broadcast %slice3A_196 : vector<1x512xf32> to vector<512x512xf32>
        %max3A_211 = arith.maximumf %broadcast_in_dim3A_24, %max3A_210 : vector<512x512xf32>
        %sub3A_212 = arith.subf %min3A_209, %max3A_211 : vector<512x512xf32>
        %max3A_213 = arith.constant 0.000000e+00 : f32
        %max3A_214 = vector.broadcast %max3A_213 : f32 to vector<512x512xf32>
        %max3A_215 = arith.maximumf %sub3A_212, %max3A_214 : vector<512x512xf32>
        %mul3A_216 = arith.mulf %max3A_207, %max3A_215 : vector<512x512xf32>
        %add3A_217 = vector.broadcast %slice3A_199 : vector<1x512xf32> to vector<512x512xf32>
        %add3A_218 = arith.addf %broadcast_in_dim3A_33, %add3A_217 : vector<512x512xf32>
        %sub3A_219 = arith.subf %add3A_218, %mul3A_216 : vector<512x512xf32>
        %add3A_220 = arith.constant 9.99999997E-7 : f32
        %add3A_221 = vector.broadcast %add3A_220 : f32 to vector<512x512xf32>
        %add3A_222 = arith.addf %sub3A_219, %add3A_221 : vector<512x512xf32>
        %div3A_223 = arith.divf %mul3A_216, %add3A_222 : vector<512x512xf32>
        %gt3A_224 = arith.constant 4.000000e-01 : f32
        %gt3A_225 = vector.broadcast %gt3A_224 : f32 to vector<512x512xf32>
        %gt3A_226 = arith.cmpf ogt, %div3A_223, %gt3A_225 : vector<512x512xf32>
        %convert_element_type3A_227 = arith.extui %gt3A_226 : vector<512x512xi1> to vector<512x512xi32>
        %convert_element_type3A_228 = arith.sitofp %convert_element_type3A_227 : vector<512x512xi32> to vector<512x512xf32>
        %dot_general3A_229 = arith.constant dense<0.000000e+00> : vector<1x512xf32>
        %dot_general3A_230 = tpu.matmul %while3A_72#0, %convert_element_type3A_228, %dot_general3A_229 {dimension_numbers = #tpu.dot_dimension_numbers<[1], [0], [0], [1], [0, 0, 1, 1], [], []>, transpose_lhs_hint = false} : vector<1x512xf32>, vector<512x512xf32>, vector<1x512xf32> -> vector<1x512xf32>
        %get3A_231 = arith.index_cast %add3A_189 : i32 to index
        %get3A_232 = arith.constant 0 : index
        %get3A_233 = arith.constant 0 : index
        %get3A_234 = vector.load %arg2[%get3A_231, %get3A_232, %get3A_233] : memref<10x1x512xf32, #tpu.memory_space<vmem>>, vector<1x1x512xf32>
        %get3A_235 = vector.shape_cast %get3A_234 : vector<1x1x512xf32> to vector<1x512xf32>
        %eq3A_236 = arith.constant 0.000000e+00 : f32
        %eq3A_237 = vector.broadcast %eq3A_236 : f32 to vector<1x512xf32>
        %eq3A_238 = arith.cmpf oeq, %dot_general3A_230, %eq3A_237 : vector<1x512xf32>
        %convert_element_type3A_239 = arith.extui %eq3A_238 : vector<1x512xi1> to vector<1x512xi32>
        %convert_element_type3A_240 = arith.sitofp %convert_element_type3A_239 : vector<1x512xi32> to vector<1x512xf32>
        %mul3A_241 = arith.mulf %get3A_235, %convert_element_type3A_240 : vector<1x512xf32>
        %swap3A_242 = arith.index_cast %add3A_189 : i32 to index
        %swap3A_243 = arith.constant 0 : index
        %swap3A_244 = arith.constant 0 : index
        %swap3A_245 = vector.load %arg2[%swap3A_242, %swap3A_243, %swap3A_244] : memref<10x1x512xf32, #tpu.memory_space<vmem>>, vector<1x1x512xf32>
        %swap3A_246 = vector.shape_cast %swap3A_245 : vector<1x1x512xf32> to vector<1x512xf32>
        %swap3A_247 = vector.shape_cast %mul3A_241 : vector<1x512xf32> to vector<1x1x512xf32>
        tpu.vector_store %arg2[%swap3A_242, %swap3A_243, %swap3A_244], %swap3A_247 {strides = array<i32>} : memref<10x1x512xf32, #tpu.memory_space<vmem>>, vector<1x1x512xf32>,
        %add3A_248 = arith.constant 2 : i32
        %add3A_249 = arith.addi %add3A_129, %add3A_248 : i32
        %get3A_250 = arith.index_cast %add3A_249 : i32 to index
        %get3A_251 = arith.constant 0 : index
        %get3A_252 = arith.constant 0 : index
        %get3A_253 = vector.load %arg1[%get3A_250, %get3A_251, %get3A_252] : memref<10x8x512xf32, #tpu.memory_space<vmem>>, vector<1x8x512xf32>
        %get3A_254 = vector.shape_cast %get3A_253 : vector<1x8x512xf32> to vector<8x512xf32>
        %slice3A_255 = vector.extract_strided_slice %get3A_254 {offsets = [0, 0], sizes = [1, 512], strides = [1, 1]} : vector<8x512xf32> to vector<1x512xf32>
        %slice3A_256 = vector.extract_strided_slice %get3A_254 {offsets = [1, 0], sizes = [1, 512], strides = [1, 1]} : vector<8x512xf32> to vector<1x512xf32>
        %slice3A_257 = vector.extract_strided_slice %get3A_254 {offsets = [2, 0], sizes = [1, 512], strides = [1, 1]} : vector<8x512xf32> to vector<1x512xf32>
        %slice3A_258 = vector.extract_strided_slice %get3A_254 {offsets = [3, 0], sizes = [1, 512], strides = [1, 1]} : vector<8x512xf32> to vector<1x512xf32>
        %slice3A_259 = vector.extract_strided_slice %get3A_254 {offsets = [4, 0], sizes = [1, 512], strides = [1, 1]} : vector<8x512xf32> to vector<1x512xf32>
        %min3A_260 = vector.broadcast %slice3A_257 : vector<1x512xf32> to vector<512x512xf32>
        %min3A_261 = arith.minimumf %broadcast_in_dim3A_27, %min3A_260 : vector<512x512xf32>
        %max3A_262 = vector.broadcast %slice3A_255 : vector<1x512xf32> to vector<512x512xf32>
        %max3A_263 = arith.maximumf %broadcast_in_dim3A_21, %max3A_262 : vector<512x512xf32>
        %sub3A_264 = arith.subf %min3A_261, %max3A_263 : vector<512x512xf32>
        %max3A_265 = arith.constant 0.000000e+00 : f32
        %max3A_266 = vector.broadcast %max3A_265 : f32 to vector<512x512xf32>
        %max3A_267 = arith.maximumf %sub3A_264, %max3A_266 : vector<512x512xf32>
        %min3A_268 = vector.broadcast %slice3A_258 : vector<1x512xf32> to vector<512x512xf32>
        %min3A_269 = arith.minimumf %broadcast_in_dim3A_30, %min3A_268 : vector<512x512xf32>
        %max3A_270 = vector.broadcast %slice3A_256 : vector<1x512xf32> to vector<512x512xf32>
        %max3A_271 = arith.maximumf %broadcast_in_dim3A_24, %max3A_270 : vector<512x512xf32>
        %sub3A_272 = arith.subf %min3A_269, %max3A_271 : vector<512x512xf32>
        %max3A_273 = arith.constant 0.000000e+00 : f32
        %max3A_274 = vector.broadcast %max3A_273 : f32 to vector<512x512xf32>
        %max3A_275 = arith.maximumf %sub3A_272, %max3A_274 : vector<512x512xf32>
        %mul3A_276 = arith.mulf %max3A_267, %max3A_275 : vector<512x512xf32>
        %add3A_277 = vector.broadcast %slice3A_259 : vector<1x512xf32> to vector<512x512xf32>
        %add3A_278 = arith.addf %broadcast_in_dim3A_33, %add3A_277 : vector<512x512xf32>
        %sub3A_279 = arith.subf %add3A_278, %mul3A_276 : vector<512x512xf32>
        %add3A_280 = arith.constant 9.99999997E-7 : f32
        %add3A_281 = vector.broadcast %add3A_280 : f32 to vector<512x512xf32>
        %add3A_282 = arith.addf %sub3A_279, %add3A_281 : vector<512x512xf32>
        %div3A_283 = arith.divf %mul3A_276, %add3A_282 : vector<512x512xf32>
        %gt3A_284 = arith.constant 4.000000e-01 : f32
        %gt3A_285 = vector.broadcast %gt3A_284 : f32 to vector<512x512xf32>
        %gt3A_286 = arith.cmpf ogt, %div3A_283, %gt3A_285 : vector<512x512xf32>
        %convert_element_type3A_287 = arith.extui %gt3A_286 : vector<512x512xi1> to vector<512x512xi32>
        %convert_element_type3A_288 = arith.sitofp %convert_element_type3A_287 : vector<512x512xi32> to vector<512x512xf32>
        %dot_general3A_289 = arith.constant dense<0.000000e+00> : vector<1x512xf32>
        %dot_general3A_290 = tpu.matmul %while3A_72#0, %convert_element_type3A_288, %dot_general3A_289 {dimension_numbers = #tpu.dot_dimension_numbers<[1], [0], [0], [1], [0, 0, 1, 1], [], []>, transpose_lhs_hint = false} : vector<1x512xf32>, vector<512x512xf32>, vector<1x512xf32> -> vector<1x512xf32>
        %get3A_291 = arith.index_cast %add3A_249 : i32 to index
        %get3A_292 = arith.constant 0 : index
        %get3A_293 = arith.constant 0 : index
        %get3A_294 = vector.load %arg2[%get3A_291, %get3A_292, %get3A_293] : memref<10x1x512xf32, #tpu.memory_space<vmem>>, vector<1x1x512xf32>
        %get3A_295 = vector.shape_cast %get3A_294 : vector<1x1x512xf32> to vector<1x512xf32>
        %eq3A_296 = arith.constant 0.000000e+00 : f32
        %eq3A_297 = vector.broadcast %eq3A_296 : f32 to vector<1x512xf32>
        %eq3A_298 = arith.cmpf oeq, %dot_general3A_290, %eq3A_297 : vector<1x512xf32>
        %convert_element_type3A_299 = arith.extui %eq3A_298 : vector<1x512xi1> to vector<1x512xi32>
        %convert_element_type3A_300 = arith.sitofp %convert_element_type3A_299 : vector<1x512xi32> to vector<1x512xf32>
        %mul3A_301 = arith.mulf %get3A_295, %convert_element_type3A_300 : vector<1x512xf32>
        %swap3A_302 = arith.index_cast %add3A_249 : i32 to index
        %swap3A_303 = arith.constant 0 : index
        %swap3A_304 = arith.constant 0 : index
        %swap3A_305 = vector.load %arg2[%swap3A_302, %swap3A_303, %swap3A_304] : memref<10x1x512xf32, #tpu.memory_space<vmem>>, vector<1x1x512xf32>
        %swap3A_306 = vector.shape_cast %swap3A_305 : vector<1x1x512xf32> to vector<1x512xf32>
        %swap3A_307 = vector.shape_cast %mul3A_301 : vector<1x512xf32> to vector<1x1x512xf32>
        tpu.vector_store %arg2[%swap3A_302, %swap3A_303, %swap3A_304], %swap3A_307 {strides = array<i32>} : memref<10x1x512xf32, #tpu.memory_space<vmem>>, vector<1x1x512xf32>,
        %add3A_308 = arith.constant 3 : i32
        %add3A_309 = arith.addi %add3A_129, %add3A_308 : i32
        %get3A_310 = arith.index_cast %add3A_309 : i32 to index
        %get3A_311 = arith.constant 0 : index
        %get3A_312 = arith.constant 0 : index
        %get3A_313 = vector.load %arg1[%get3A_310, %get3A_311, %get3A_312] : memref<10x8x512xf32, #tpu.memory_space<vmem>>, vector<1x8x512xf32>
        %get3A_314 = vector.shape_cast %get3A_313 : vector<1x8x512xf32> to vector<8x512xf32>
        %slice3A_315 = vector.extract_strided_slice %get3A_314 {offsets = [0, 0], sizes = [1, 512], strides = [1, 1]} : vector<8x512xf32> to vector<1x512xf32>
        %slice3A_316 = vector.extract_strided_slice %get3A_314 {offsets = [1, 0], sizes = [1, 512], strides = [1, 1]} : vector<8x512xf32> to vector<1x512xf32>
        %slice3A_317 = vector.extract_strided_slice %get3A_314 {offsets = [2, 0], sizes = [1, 512], strides = [1, 1]} : vector<8x512xf32> to vector<1x512xf32>
        %slice3A_318 = vector.extract_strided_slice %get3A_314 {offsets = [3, 0], sizes = [1, 512], strides = [1, 1]} : vector<8x512xf32> to vector<1x512xf32>
        %slice3A_319 = vector.extract_strided_slice %get3A_314 {offsets = [4, 0], sizes = [1, 512], strides = [1, 1]} : vector<8x512xf32> to vector<1x512xf32>
        %min3A_320 = vector.broadcast %slice3A_317 : vector<1x512xf32> to vector<512x512xf32>
        %min3A_321 = arith.minimumf %broadcast_in_dim3A_27, %min3A_320 : vector<512x512xf32>
        %max3A_322 = vector.broadcast %slice3A_315 : vector<1x512xf32> to vector<512x512xf32>
        %max3A_323 = arith.maximumf %broadcast_in_dim3A_21, %max3A_322 : vector<512x512xf32>
        %sub3A_324 = arith.subf %min3A_321, %max3A_323 : vector<512x512xf32>
        %max3A_325 = arith.constant 0.000000e+00 : f32
        %max3A_326 = vector.broadcast %max3A_325 : f32 to vector<512x512xf32>
        %max3A_327 = arith.maximumf %sub3A_324, %max3A_326 : vector<512x512xf32>
        %min3A_328 = vector.broadcast %slice3A_318 : vector<1x512xf32> to vector<512x512xf32>
        %min3A_329 = arith.minimumf %broadcast_in_dim3A_30, %min3A_328 : vector<512x512xf32>
        %max3A_330 = vector.broadcast %slice3A_316 : vector<1x512xf32> to vector<512x512xf32>
        %max3A_331 = arith.maximumf %broadcast_in_dim3A_24, %max3A_330 : vector<512x512xf32>
        %sub3A_332 = arith.subf %min3A_329, %max3A_331 : vector<512x512xf32>
        %max3A_333 = arith.constant 0.000000e+00 : f32
        %max3A_334 = vector.broadcast %max3A_333 : f32 to vector<512x512xf32>
        %max3A_335 = arith.maximumf %sub3A_332, %max3A_334 : vector<512x512xf32>
        %mul3A_336 = arith.mulf %max3A_327, %max3A_335 : vector<512x512xf32>
        %add3A_337 = vector.broadcast %slice3A_319 : vector<1x512xf32> to vector<512x512xf32>
        %add3A_338 = arith.addf %broadcast_in_dim3A_33, %add3A_337 : vector<512x512xf32>
        %sub3A_339 = arith.subf %add3A_338, %mul3A_336 : vector<512x512xf32>
        %add3A_340 = arith.constant 9.99999997E-7 : f32
        %add3A_341 = vector.broadcast %add3A_340 : f32 to vector<512x512xf32>
        %add3A_342 = arith.addf %sub3A_339, %add3A_341 : vector<512x512xf32>
        %div3A_343 = arith.divf %mul3A_336, %add3A_342 : vector<512x512xf32>
        %gt3A_344 = arith.constant 4.000000e-01 : f32
        %gt3A_345 = vector.broadcast %gt3A_344 : f32 to vector<512x512xf32>
        %gt3A_346 = arith.cmpf ogt, %div3A_343, %gt3A_345 : vector<512x512xf32>
        %convert_element_type3A_347 = arith.extui %gt3A_346 : vector<512x512xi1> to vector<512x512xi32>
        %convert_element_type3A_348 = arith.sitofp %convert_element_type3A_347 : vector<512x512xi32> to vector<512x512xf32>
        %dot_general3A_349 = arith.constant dense<0.000000e+00> : vector<1x512xf32>
        %dot_general3A_350 = tpu.matmul %while3A_72#0, %convert_element_type3A_348, %dot_general3A_349 {dimension_numbers = #tpu.dot_dimension_numbers<[1], [0], [0], [1], [0, 0, 1, 1], [], []>, transpose_lhs_hint = false} : vector<1x512xf32>, vector<512x512xf32>, vector<1x512xf32> -> vector<1x512xf32>
        %get3A_351 = arith.index_cast %add3A_309 : i32 to index
        %get3A_352 = arith.constant 0 : index
        %get3A_353 = arith.constant 0 : index
        %get3A_354 = vector.load %arg2[%get3A_351, %get3A_352, %get3A_353] : memref<10x1x512xf32, #tpu.memory_space<vmem>>, vector<1x1x512xf32>
        %get3A_355 = vector.shape_cast %get3A_354 : vector<1x1x512xf32> to vector<1x512xf32>
        %eq3A_356 = arith.constant 0.000000e+00 : f32
        %eq3A_357 = vector.broadcast %eq3A_356 : f32 to vector<1x512xf32>
        %eq3A_358 = arith.cmpf oeq, %dot_general3A_350, %eq3A_357 : vector<1x512xf32>
        %convert_element_type3A_359 = arith.extui %eq3A_358 : vector<1x512xi1> to vector<1x512xi32>
        %convert_element_type3A_360 = arith.sitofp %convert_element_type3A_359 : vector<1x512xi32> to vector<1x512xf32>
        %mul3A_361 = arith.mulf %get3A_355, %convert_element_type3A_360 : vector<1x512xf32>
        %swap3A_362 = arith.index_cast %add3A_309 : i32 to index
        %swap3A_363 = arith.constant 0 : index
        %swap3A_364 = arith.constant 0 : index
        %swap3A_365 = vector.load %arg2[%swap3A_362, %swap3A_363, %swap3A_364] : memref<10x1x512xf32, #tpu.memory_space<vmem>>, vector<1x1x512xf32>
        %swap3A_366 = vector.shape_cast %swap3A_365 : vector<1x1x512xf32> to vector<1x512xf32>
        %swap3A_367 = vector.shape_cast %mul3A_361 : vector<1x512xf32> to vector<1x1x512xf32>
        tpu.vector_store %arg2[%swap3A_362, %swap3A_363, %swap3A_364], %swap3A_367 {strides = array<i32>} : memref<10x1x512xf32, #tpu.memory_space<vmem>>, vector<1x1x512xf32>,
      }
      %while3A_108 = arith.constant 1 : i32
      scf.for %while3A_124 = %while3A_106 to %while3A_102 step %while3A_108  : i32 {
        %add3A_125 = arith.constant 1 : i32
        %add3A_126 = arith.addi %scan3A_15, %add3A_125 : i32
        %mul3A_127 = arith.constant 4 : i32
        %mul3A_128 = arith.muli %mul3A_127, %while3A_124 : i32
        %add3A_129 = arith.addi %add3A_126, %mul3A_128 : i32
        %add3A_130 = arith.constant 0 : i32
        %add3A_131 = arith.addi %add3A_129, %add3A_130 : i32
        %get3A_132 = arith.index_cast %add3A_131 : i32 to index
        %get3A_133 = arith.constant 0 : index
        %get3A_134 = arith.constant 0 : index
        %get3A_135 = vector.load %arg1[%get3A_132, %get3A_133, %get3A_134] : memref<10x8x512xf32, #tpu.memory_space<vmem>>, vector<1x8x512xf32>
        %get3A_136 = vector.shape_cast %get3A_135 : vector<1x8x512xf32> to vector<8x512xf32>
        %slice3A_137 = vector.extract_strided_slice %get3A_136 {offsets = [0, 0], sizes = [1, 512], strides = [1, 1]} : vector<8x512xf32> to vector<1x512xf32>
        %slice3A_138 = vector.extract_strided_slice %get3A_136 {offsets = [1, 0], sizes = [1, 512], strides = [1, 1]} : vector<8x512xf32> to vector<1x512xf32>
        %slice3A_139 = vector.extract_strided_slice %get3A_136 {offsets = [2, 0], sizes = [1, 512], strides = [1, 1]} : vector<8x512xf32> to vector<1x512xf32>
        %slice3A_140 = vector.extract_strided_slice %get3A_136 {offsets = [3, 0], sizes = [1, 512], strides = [1, 1]} : vector<8x512xf32> to vector<1x512xf32>
        %slice3A_141 = vector.extract_strided_slice %get3A_136 {offsets = [4, 0], sizes = [1, 512], strides = [1, 1]} : vector<8x512xf32> to vector<1x512xf32>
        %min3A_142 = vector.broadcast %slice3A_139 : vector<1x512xf32> to vector<512x512xf32>
        %min3A_143 = arith.minimumf %broadcast_in_dim3A_27, %min3A_142 : vector<512x512xf32>
        %max3A_144 = vector.broadcast %slice3A_137 : vector<1x512xf32> to vector<512x512xf32>
        %max3A_145 = arith.maximumf %broadcast_in_dim3A_21, %max3A_144 : vector<512x512xf32>
        %sub3A_146 = arith.subf %min3A_143, %max3A_145 : vector<512x512xf32>
        %max3A_147 = arith.constant 0.000000e+00 : f32
        %max3A_148 = vector.broadcast %max3A_147 : f32 to vector<512x512xf32>
        %max3A_149 = arith.maximumf %sub3A_146, %max3A_148 : vector<512x512xf32>
        %min3A_150 = vector.broadcast %slice3A_140 : vector<1x512xf32> to vector<512x512xf32>
        %min3A_151 = arith.minimumf %broadcast_in_dim3A_30, %min3A_150 : vector<512x512xf32>
        %max3A_152 = vector.broadcast %slice3A_138 : vector<1x512xf32> to vector<512x512xf32>
        %max3A_153 = arith.maximumf %broadcast_in_dim3A_24, %max3A_152 : vector<512x512xf32>
        %sub3A_154 = arith.subf %min3A_151, %max3A_153 : vector<512x512xf32>
        %max3A_155 = arith.constant 0.000000e+00 : f32
        %max3A_156 = vector.broadcast %max3A_155 : f32 to vector<512x512xf32>
        %max3A_157 = arith.maximumf %sub3A_154, %max3A_156 : vector<512x512xf32>
        %mul3A_158 = arith.mulf %max3A_149, %max3A_157 : vector<512x512xf32>
        %add3A_159 = vector.broadcast %slice3A_141 : vector<1x512xf32> to vector<512x512xf32>
        %add3A_160 = arith.addf %broadcast_in_dim3A_33, %add3A_159 : vector<512x512xf32>
        %sub3A_161 = arith.subf %add3A_160, %mul3A_158 : vector<512x512xf32>
        %add3A_162 = arith.constant 9.99999997E-7 : f32
        %add3A_163 = vector.broadcast %add3A_162 : f32 to vector<512x512xf32>
        %add3A_164 = arith.addf %sub3A_161, %add3A_163 : vector<512x512xf32>
        %div3A_165 = arith.divf %mul3A_158, %add3A_164 : vector<512x512xf32>
        %gt3A_166 = arith.constant 4.000000e-01 : f32
        %gt3A_167 = vector.broadcast %gt3A_166 : f32 to vector<512x512xf32>
        %gt3A_168 = arith.cmpf ogt, %div3A_165, %gt3A_167 : vector<512x512xf32>
        %convert_element_type3A_169 = arith.extui %gt3A_168 : vector<512x512xi1> to vector<512x512xi32>
        %convert_element_type3A_170 = arith.sitofp %convert_element_type3A_169 : vector<512x512xi32> to vector<512x512xf32>
        %dot_general3A = arith.constant dense<0.000000e+00> : vector<1x512xf32>
        %dot_general3A_171 = tpu.matmul %while3A_72#0, %convert_element_type3A_170, %dot_general3A {dimension_numbers = #tpu.dot_dimension_numbers<[1], [0], [0], [1], [0, 0, 1, 1], [], []>, transpose_lhs_hint = false} : vector<1x512xf32>, vector<512x512xf32>, vector<1x512xf32> -> vector<1x512xf32>
        %get3A_172 = arith.index_cast %add3A_131 : i32 to index
        %get3A_173 = arith.constant 0 : index
        %get3A_174 = arith.constant 0 : index
        %get3A_175 = vector.load %arg2[%get3A_172, %get3A_173, %get3A_174] : memref<10x1x512xf32, #tpu.memory_space<vmem>>, vector<1x1x512xf32>
        %get3A_176 = vector.shape_cast %get3A_175 : vector<1x1x512xf32> to vector<1x512xf32>
        %eq3A = arith.constant 0.000000e+00 : f32
        %eq3A_177 = vector.broadcast %eq3A : f32 to vector<1x512xf32>
        %eq3A_178 = arith.cmpf oeq, %dot_general3A_171, %eq3A_177 : vector<1x512xf32>
        %convert_element_type3A_179 = arith.extui %eq3A_178 : vector<1x512xi1> to vector<1x512xi32>
        %convert_element_type3A_180 = arith.sitofp %convert_element_type3A_179 : vector<1x512xi32> to vector<1x512xf32>
        %mul3A_181 = arith.mulf %get3A_176, %convert_element_type3A_180 : vector<1x512xf32>
        %swap3A_182 = arith.index_cast %add3A_131 : i32 to index
        %swap3A_183 = arith.constant 0 : index
        %swap3A_184 = arith.constant 0 : index
        %swap3A_185 = vector.load %arg2[%swap3A_182, %swap3A_183, %swap3A_184] : memref<10x1x512xf32, #tpu.memory_space<vmem>>, vector<1x1x512xf32>
        %swap3A_186 = vector.shape_cast %swap3A_185 : vector<1x1x512xf32> to vector<1x512xf32>
        %swap3A_187 = vector.shape_cast %mul3A_181 : vector<1x512xf32> to vector<1x1x512xf32>
        tpu.vector_store %arg2[%swap3A_182, %swap3A_183, %swap3A_184], %swap3A_187 {strides = array<i32>} : memref<10x1x512xf32, #tpu.memory_space<vmem>>, vector<1x1x512xf32>,
        %add3A_188 = arith.constant 1 : i32
        %add3A_189 = arith.addi %add3A_129, %add3A_188 : i32
        %get3A_190 = arith.index_cast %add3A_189 : i32 to index
        %get3A_191 = arith.constant 0 : index
        %get3A_192 = arith.constant 0 : index
        %get3A_193 = vector.load %arg1[%get3A_190, %get3A_191, %get3A_192] : memref<10x8x512xf32, #tpu.memory_space<vmem>>, vector<1x8x512xf32>
        %get3A_194 = vector.shape_cast %get3A_193 : vector<1x8x512xf32> to vector<8x512xf32>
        %slice3A_195 = vector.extract_strided_slice %get3A_194 {offsets = [0, 0], sizes = [1, 512], strides = [1, 1]} : vector<8x512xf32> to vector<1x512xf32>
        %slice3A_196 = vector.extract_strided_slice %get3A_194 {offsets = [1, 0], sizes = [1, 512], strides = [1, 1]} : vector<8x512xf32> to vector<1x512xf32>
        %slice3A_197 = vector.extract_strided_slice %get3A_194 {offsets = [2, 0], sizes = [1, 512], strides = [1, 1]} : vector<8x512xf32> to vector<1x512xf32>
        %slice3A_198 = vector.extract_strided_slice %get3A_194 {offsets = [3, 0], sizes = [1, 512], strides = [1, 1]} : vector<8x512xf32> to vector<1x512xf32>
        %slice3A_199 = vector.extract_strided_slice %get3A_194 {offsets = [4, 0], sizes = [1, 512], strides = [1, 1]} : vector<8x512xf32> to vector<1x512xf32>
        %min3A_200 = vector.broadcast %slice3A_197 : vector<1x512xf32> to vector<512x512xf32>
        %min3A_201 = arith.minimumf %broadcast_in_dim3A_27, %min3A_200 : vector<512x512xf32>
        %max3A_202 = vector.broadcast %slice3A_195 : vector<1x512xf32> to vector<512x512xf32>
        %max3A_203 = arith.maximumf %broadcast_in_dim3A_21, %max3A_202 : vector<512x512xf32>
        %sub3A_204 = arith.subf %min3A_201, %max3A_203 : vector<512x512xf32>
        %max3A_205 = arith.constant 0.000000e+00 : f32
        %max3A_206 = vector.broadcast %max3A_205 : f32 to vector<512x512xf32>
        %max3A_207 = arith.maximumf %sub3A_204, %max3A_206 : vector<512x512xf32>
        %min3A_208 = vector.broadcast %slice3A_198 : vector<1x512xf32> to vector<512x512xf32>
        %min3A_209 = arith.minimumf %broadcast_in_dim3A_30, %min3A_208 : vector<512x512xf32>
        %max3A_210 = vector.broadcast %slice3A_196 : vector<1x512xf32> to vector<512x512xf32>
        %max3A_211 = arith.maximumf %broadcast_in_dim3A_24, %max3A_210 : vector<512x512xf32>
        %sub3A_212 = arith.subf %min3A_209, %max3A_211 : vector<512x512xf32>
        %max3A_213 = arith.constant 0.000000e+00 : f32
        %max3A_214 = vector.broadcast %max3A_213 : f32 to vector<512x512xf32>
        %max3A_215 = arith.maximumf %sub3A_212, %max3A_214 : vector<512x512xf32>
        %mul3A_216 = arith.mulf %max3A_207, %max3A_215 : vector<512x512xf32>
        %add3A_217 = vector.broadcast %slice3A_199 : vector<1x512xf32> to vector<512x512xf32>
        %add3A_218 = arith.addf %broadcast_in_dim3A_33, %add3A_217 : vector<512x512xf32>
        %sub3A_219 = arith.subf %add3A_218, %mul3A_216 : vector<512x512xf32>
        %add3A_220 = arith.constant 9.99999997E-7 : f32
        %add3A_221 = vector.broadcast %add3A_220 : f32 to vector<512x512xf32>
        %add3A_222 = arith.addf %sub3A_219, %add3A_221 : vector<512x512xf32>
        %div3A_223 = arith.divf %mul3A_216, %add3A_222 : vector<512x512xf32>
        %gt3A_224 = arith.constant 4.000000e-01 : f32
        %gt3A_225 = vector.broadcast %gt3A_224 : f32 to vector<512x512xf32>
        %gt3A_226 = arith.cmpf ogt, %div3A_223, %gt3A_225 : vector<512x512xf32>
        %convert_element_type3A_227 = arith.extui %gt3A_226 : vector<512x512xi1> to vector<512x512xi32>
        %convert_element_type3A_228 = arith.sitofp %convert_element_type3A_227 : vector<512x512xi32> to vector<512x512xf32>
        %dot_general3A_229 = arith.constant dense<0.000000e+00> : vector<1x512xf32>
        %dot_general3A_230 = tpu.matmul %while3A_72#0, %convert_element_type3A_228, %dot_general3A_229 {dimension_numbers = #tpu.dot_dimension_numbers<[1], [0], [0], [1], [0, 0, 1, 1], [], []>, transpose_lhs_hint = false} : vector<1x512xf32>, vector<512x512xf32>, vector<1x512xf32> -> vector<1x512xf32>
        %get3A_231 = arith.index_cast %add3A_189 : i32 to index
        %get3A_232 = arith.constant 0 : index
        %get3A_233 = arith.constant 0 : index
        %get3A_234 = vector.load %arg2[%get3A_231, %get3A_232, %get3A_233] : memref<10x1x512xf32, #tpu.memory_space<vmem>>, vector<1x1x512xf32>
        %get3A_235 = vector.shape_cast %get3A_234 : vector<1x1x512xf32> to vector<1x512xf32>
        %eq3A_236 = arith.constant 0.000000e+00 : f32
        %eq3A_237 = vector.broadcast %eq3A_236 : f32 to vector<1x512xf32>
        %eq3A_238 = arith.cmpf oeq, %dot_general3A_230, %eq3A_237 : vector<1x512xf32>
        %convert_element_type3A_239 = arith.extui %eq3A_238 : vector<1x512xi1> to vector<1x512xi32>
        %convert_element_type3A_240 = arith.sitofp %convert_element_type3A_239 : vector<1x512xi32> to vector<1x512xf32>
        %mul3A_241 = arith.mulf %get3A_235, %convert_element_type3A_240 : vector<1x512xf32>
        %swap3A_242 = arith.index_cast %add3A_189 : i32 to index
        %swap3A_243 = arith.constant 0 : index
        %swap3A_244 = arith.constant 0 : index
        %swap3A_245 = vector.load %arg2[%swap3A_242, %swap3A_243, %swap3A_244] : memref<10x1x512xf32, #tpu.memory_space<vmem>>, vector<1x1x512xf32>
        %swap3A_246 = vector.shape_cast %swap3A_245 : vector<1x1x512xf32> to vector<1x512xf32>
        %swap3A_247 = vector.shape_cast %mul3A_241 : vector<1x512xf32> to vector<1x1x512xf32>
        tpu.vector_store %arg2[%swap3A_242, %swap3A_243, %swap3A_244], %swap3A_247 {strides = array<i32>} : memref<10x1x512xf32, #tpu.memory_space<vmem>>, vector<1x1x512xf32>,
        %add3A_248 = arith.constant 2 : i32
        %add3A_249 = arith.addi %add3A_129, %add3A_248 : i32
        %get3A_250 = arith.index_cast %add3A_249 : i32 to index
        %get3A_251 = arith.constant 0 : index
        %get3A_252 = arith.constant 0 : index
        %get3A_253 = vector.load %arg1[%get3A_250, %get3A_251, %get3A_252] : memref<10x8x512xf32, #tpu.memory_space<vmem>>, vector<1x8x512xf32>
        %get3A_254 = vector.shape_cast %get3A_253 : vector<1x8x512xf32> to vector<8x512xf32>
        %slice3A_255 = vector.extract_strided_slice %get3A_254 {offsets = [0, 0], sizes = [1, 512], strides = [1, 1]} : vector<8x512xf32> to vector<1x512xf32>
        %slice3A_256 = vector.extract_strided_slice %get3A_254 {offsets = [1, 0], sizes = [1, 512], strides = [1, 1]} : vector<8x512xf32> to vector<1x512xf32>
        %slice3A_257 = vector.extract_strided_slice %get3A_254 {offsets = [2, 0], sizes = [1, 512], strides = [1, 1]} : vector<8x512xf32> to vector<1x512xf32>
        %slice3A_258 = vector.extract_strided_slice %get3A_254 {offsets = [3, 0], sizes = [1, 512], strides = [1, 1]} : vector<8x512xf32> to vector<1x512xf32>
        %slice3A_259 = vector.extract_strided_slice %get3A_254 {offsets = [4, 0], sizes = [1, 512], strides = [1, 1]} : vector<8x512xf32> to vector<1x512xf32>
        %min3A_260 = vector.broadcast %slice3A_257 : vector<1x512xf32> to vector<512x512xf32>
        %min3A_261 = arith.minimumf %broadcast_in_dim3A_27, %min3A_260 : vector<512x512xf32>
        %max3A_262 = vector.broadcast %slice3A_255 : vector<1x512xf32> to vector<512x512xf32>
        %max3A_263 = arith.maximumf %broadcast_in_dim3A_21, %max3A_262 : vector<512x512xf32>
        %sub3A_264 = arith.subf %min3A_261, %max3A_263 : vector<512x512xf32>
        %max3A_265 = arith.constant 0.000000e+00 : f32
        %max3A_266 = vector.broadcast %max3A_265 : f32 to vector<512x512xf32>
        %max3A_267 = arith.maximumf %sub3A_264, %max3A_266 : vector<512x512xf32>
        %min3A_268 = vector.broadcast %slice3A_258 : vector<1x512xf32> to vector<512x512xf32>
        %min3A_269 = arith.minimumf %broadcast_in_dim3A_30, %min3A_268 : vector<512x512xf32>
        %max3A_270 = vector.broadcast %slice3A_256 : vector<1x512xf32> to vector<512x512xf32>
        %max3A_271 = arith.maximumf %broadcast_in_dim3A_24, %max3A_270 : vector<512x512xf32>
        %sub3A_272 = arith.subf %min3A_269, %max3A_271 : vector<512x512xf32>
        %max3A_273 = arith.constant 0.000000e+00 : f32
        %max3A_274 = vector.broadcast %max3A_273 : f32 to vector<512x512xf32>
        %max3A_275 = arith.maximumf %sub3A_272, %max3A_274 : vector<512x512xf32>
        %mul3A_276 = arith.mulf %max3A_267, %max3A_275 : vector<512x512xf32>
        %add3A_277 = vector.broadcast %slice3A_259 : vector<1x512xf32> to vector<512x512xf32>
        %add3A_278 = arith.addf %broadcast_in_dim3A_33, %add3A_277 : vector<512x512xf32>
        %sub3A_279 = arith.subf %add3A_278, %mul3A_276 : vector<512x512xf32>
        %add3A_280 = arith.constant 9.99999997E-7 : f32
        %add3A_281 = vector.broadcast %add3A_280 : f32 to vector<512x512xf32>
        %add3A_282 = arith.addf %sub3A_279, %add3A_281 : vector<512x512xf32>
        %div3A_283 = arith.divf %mul3A_276, %add3A_282 : vector<512x512xf32>
        %gt3A_284 = arith.constant 4.000000e-01 : f32
        %gt3A_285 = vector.broadcast %gt3A_284 : f32 to vector<512x512xf32>
        %gt3A_286 = arith.cmpf ogt, %div3A_283, %gt3A_285 : vector<512x512xf32>
        %convert_element_type3A_287 = arith.extui %gt3A_286 : vector<512x512xi1> to vector<512x512xi32>
        %convert_element_type3A_288 = arith.sitofp %convert_element_type3A_287 : vector<512x512xi32> to vector<512x512xf32>
        %dot_general3A_289 = arith.constant dense<0.000000e+00> : vector<1x512xf32>
        %dot_general3A_290 = tpu.matmul %while3A_72#0, %convert_element_type3A_288, %dot_general3A_289 {dimension_numbers = #tpu.dot_dimension_numbers<[1], [0], [0], [1], [0, 0, 1, 1], [], []>, transpose_lhs_hint = false} : vector<1x512xf32>, vector<512x512xf32>, vector<1x512xf32> -> vector<1x512xf32>
        %get3A_291 = arith.index_cast %add3A_249 : i32 to index
        %get3A_292 = arith.constant 0 : index
        %get3A_293 = arith.constant 0 : index
        %get3A_294 = vector.load %arg2[%get3A_291, %get3A_292, %get3A_293] : memref<10x1x512xf32, #tpu.memory_space<vmem>>, vector<1x1x512xf32>
        %get3A_295 = vector.shape_cast %get3A_294 : vector<1x1x512xf32> to vector<1x512xf32>
        %eq3A_296 = arith.constant 0.000000e+00 : f32
        %eq3A_297 = vector.broadcast %eq3A_296 : f32 to vector<1x512xf32>
        %eq3A_298 = arith.cmpf oeq, %dot_general3A_290, %eq3A_297 : vector<1x512xf32>
        %convert_element_type3A_299 = arith.extui %eq3A_298 : vector<1x512xi1> to vector<1x512xi32>
        %convert_element_type3A_300 = arith.sitofp %convert_element_type3A_299 : vector<1x512xi32> to vector<1x512xf32>
        %mul3A_301 = arith.mulf %get3A_295, %convert_element_type3A_300 : vector<1x512xf32>
        %swap3A_302 = arith.index_cast %add3A_249 : i32 to index
        %swap3A_303 = arith.constant 0 : index
        %swap3A_304 = arith.constant 0 : index
        %swap3A_305 = vector.load %arg2[%swap3A_302, %swap3A_303, %swap3A_304] : memref<10x1x512xf32, #tpu.memory_space<vmem>>, vector<1x1x512xf32>
        %swap3A_306 = vector.shape_cast %swap3A_305 : vector<1x1x512xf32> to vector<1x512xf32>
        %swap3A_307 = vector.shape_cast %mul3A_301 : vector<1x512xf32> to vector<1x1x512xf32>
        tpu.vector_store %arg2[%swap3A_302, %swap3A_303, %swap3A_304], %swap3A_307 {strides = array<i32>} : memref<10x1x512xf32, #tpu.memory_space<vmem>>, vector<1x1x512xf32>,
        %add3A_308 = arith.constant 3 : i32
        %add3A_309 = arith.addi %add3A_129, %add3A_308 : i32
        %get3A_310 = arith.index_cast %add3A_309 : i32 to index
        %get3A_311 = arith.constant 0 : index
        %get3A_312 = arith.constant 0 : index
        %get3A_313 = vector.load %arg1[%get3A_310, %get3A_311, %get3A_312] : memref<10x8x512xf32, #tpu.memory_space<vmem>>, vector<1x8x512xf32>
        %get3A_314 = vector.shape_cast %get3A_313 : vector<1x8x512xf32> to vector<8x512xf32>
        %slice3A_315 = vector.extract_strided_slice %get3A_314 {offsets = [0, 0], sizes = [1, 512], strides = [1, 1]} : vector<8x512xf32> to vector<1x512xf32>
        %slice3A_316 = vector.extract_strided_slice %get3A_314 {offsets = [1, 0], sizes = [1, 512], strides = [1, 1]} : vector<8x512xf32> to vector<1x512xf32>
        %slice3A_317 = vector.extract_strided_slice %get3A_314 {offsets = [2, 0], sizes = [1, 512], strides = [1, 1]} : vector<8x512xf32> to vector<1x512xf32>
        %slice3A_318 = vector.extract_strided_slice %get3A_314 {offsets = [3, 0], sizes = [1, 512], strides = [1, 1]} : vector<8x512xf32> to vector<1x512xf32>
        %slice3A_319 = vector.extract_strided_slice %get3A_314 {offsets = [4, 0], sizes = [1, 512], strides = [1, 1]} : vector<8x512xf32> to vector<1x512xf32>
        %min3A_320 = vector.broadcast %slice3A_317 : vector<1x512xf32> to vector<512x512xf32>
        %min3A_321 = arith.minimumf %broadcast_in_dim3A_27, %min3A_320 : vector<512x512xf32>
        %max3A_322 = vector.broadcast %slice3A_315 : vector<1x512xf32> to vector<512x512xf32>
        %max3A_323 = arith.maximumf %broadcast_in_dim3A_21, %max3A_322 : vector<512x512xf32>
        %sub3A_324 = arith.subf %min3A_321, %max3A_323 : vector<512x512xf32>
        %max3A_325 = arith.constant 0.000000e+00 : f32
        %max3A_326 = vector.broadcast %max3A_325 : f32 to vector<512x512xf32>
        %max3A_327 = arith.maximumf %sub3A_324, %max3A_326 : vector<512x512xf32>
        %min3A_328 = vector.broadcast %slice3A_318 : vector<1x512xf32> to vector<512x512xf32>
        %min3A_329 = arith.minimumf %broadcast_in_dim3A_30, %min3A_328 : vector<512x512xf32>
        %max3A_330 = vector.broadcast %slice3A_316 : vector<1x512xf32> to vector<512x512xf32>
        %max3A_331 = arith.maximumf %broadcast_in_dim3A_24, %max3A_330 : vector<512x512xf32>
        %sub3A_332 = arith.subf %min3A_329, %max3A_331 : vector<512x512xf32>
        %max3A_333 = arith.constant 0.000000e+00 : f32
        %max3A_334 = vector.broadcast %max3A_333 : f32 to vector<512x512xf32>
        %max3A_335 = arith.maximumf %sub3A_332, %max3A_334 : vector<512x512xf32>
        %mul3A_336 = arith.mulf %max3A_327, %max3A_335 : vector<512x512xf32>
        %add3A_337 = vector.broadcast %slice3A_319 : vector<1x512xf32> to vector<512x512xf32>
        %add3A_338 = arith.addf %broadcast_in_dim3A_33, %add3A_337 : vector<512x512xf32>
        %sub3A_339 = arith.subf %add3A_338, %mul3A_336 : vector<512x512xf32>
        %add3A_340 = arith.constant 9.99999997E-7 : f32
        %add3A_341 = vector.broadcast %add3A_340 : f32 to vector<512x512xf32>
        %add3A_342 = arith.addf %sub3A_339, %add3A_341 : vector<512x512xf32>
        %div3A_343 = arith.divf %mul3A_336, %add3A_342 : vector<512x512xf32>
        %gt3A_344 = arith.constant 4.000000e-01 : f32
        %gt3A_345 = vector.broadcast %gt3A_344 : f32 to vector<512x512xf32>
        %gt3A_346 = arith.cmpf ogt, %div3A_343, %gt3A_345 : vector<512x512xf32>
        %convert_element_type3A_347 = arith.extui %gt3A_346 : vector<512x512xi1> to vector<512x512xi32>
        %convert_element_type3A_348 = arith.sitofp %convert_element_type3A_347 : vector<512x512xi32> to vector<512x512xf32>
        %dot_general3A_349 = arith.constant dense<0.000000e+00> : vector<1x512xf32>
        %dot_general3A_350 = tpu.matmul %while3A_72#0, %convert_element_type3A_348, %dot_general3A_349 {dimension_numbers = #tpu.dot_dimension_numbers<[1], [0], [0], [1], [0, 0, 1, 1], [], []>, transpose_lhs_hint = false} : vector<1x512xf32>, vector<512x512xf32>, vector<1x512xf32> -> vector<1x512xf32>
        %get3A_351 = arith.index_cast %add3A_309 : i32 to index
        %get3A_352 = arith.constant 0 : index
        %get3A_353 = arith.constant 0 : index
        %get3A_354 = vector.load %arg2[%get3A_351, %get3A_352, %get3A_353] : memref<10x1x512xf32, #tpu.memory_space<vmem>>, vector<1x1x512xf32>
        %get3A_355 = vector.shape_cast %get3A_354 : vector<1x1x512xf32> to vector<1x512xf32>
        %eq3A_356 = arith.constant 0.000000e+00 : f32
        %eq3A_357 = vector.broadcast %eq3A_356 : f32 to vector<1x512xf32>
        %eq3A_358 = arith.cmpf oeq, %dot_general3A_350, %eq3A_357 : vector<1x512xf32>
        %convert_element_type3A_359 = arith.extui %eq3A_358 : vector<1x512xi1> to vector<1x512xi32>
        %convert_element_type3A_360 = arith.sitofp %convert_element_type3A_359 : vector<1x512xi32> to vector<1x512xf32>
        %mul3A_361 = arith.mulf %get3A_355, %convert_element_type3A_360 : vector<1x512xf32>
        %swap3A_362 = arith.index_cast %add3A_309 : i32 to index
        %swap3A_363 = arith.constant 0 : index
        %swap3A_364 = arith.constant 0 : index
        %swap3A_365 = vector.load %arg2[%swap3A_362, %swap3A_363, %swap3A_364] : memref<10x1x512xf32, #tpu.memory_space<vmem>>, vector<1x1x512xf32>
        %swap3A_366 = vector.shape_cast %swap3A_365 : vector<1x1x512xf32> to vector<1x512xf32>
        %swap3A_367 = vector.shape_cast %mul3A_361 : vector<1x512xf32> to vector<1x1x512xf32>
        tpu.vector_store %arg2[%swap3A_362, %swap3A_363, %swap3A_364], %swap3A_367 {strides = array<i32>} : memref<10x1x512xf32, #tpu.memory_space<vmem>>, vector<1x1x512xf32>,
      }
      %add3A_109 = arith.constant 1 : i32
      %add3A_110 = arith.addi %scan3A_15, %add3A_109 : i32
      %mul3A_111 = arith.constant 4 : i32
      %mul3A_112 = arith.muli %mul3A_111, %select_n3A : i32
      %add3A_113 = arith.addi %add3A_110, %mul3A_112 : i32
      %while3A_114 = arith.constant 0 : i32
      %while3A_115 = arith.constant 10 : i32
      %while3A_116 = arith.subi %while3A_115, %add3A_113 : i32
      %while3A_117 = arith.addi %add3A_113, %while3A_116 : i32
      %while3A_118 = arith.constant 1 : i32
      %while3A_119 = arith.divsi %while3A_116, %while3A_118 : i32
      %while3A_120 = arith.muli %while3A_119, %while3A_118 : i32
      %while3A_121 = arith.addi %add3A_113, %while3A_120 : i32
      %while3A_122 = arith.constant 1 : i32
      scf.for %while3A_124 = %add3A_113 to %while3A_121 step %while3A_122  : i32 {
        %get3A_125 = arith.index_cast %while3A_124 : i32 to index
        %get3A_126 = arith.constant 0 : index
        %get3A_127 = arith.constant 0 : index
        %get3A_128 = vector.load %arg1[%get3A_125, %get3A_126, %get3A_127] : memref<10x8x512xf32, #tpu.memory_space<vmem>>, vector<1x8x512xf32>
        %get3A_129 = vector.shape_cast %get3A_128 : vector<1x8x512xf32> to vector<8x512xf32>
        %slice3A_130 = vector.extract_strided_slice %get3A_129 {offsets = [0, 0], sizes = [1, 512], strides = [1, 1]} : vector<8x512xf32> to vector<1x512xf32>
        %slice3A_131 = vector.extract_strided_slice %get3A_129 {offsets = [1, 0], sizes = [1, 512], strides = [1, 1]} : vector<8x512xf32> to vector<1x512xf32>
        %slice3A_132 = vector.extract_strided_slice %get3A_129 {offsets = [2, 0], sizes = [1, 512], strides = [1, 1]} : vector<8x512xf32> to vector<1x512xf32>
        %slice3A_133 = vector.extract_strided_slice %get3A_129 {offsets = [3, 0], sizes = [1, 512], strides = [1, 1]} : vector<8x512xf32> to vector<1x512xf32>
        %slice3A_134 = vector.extract_strided_slice %get3A_129 {offsets = [4, 0], sizes = [1, 512], strides = [1, 1]} : vector<8x512xf32> to vector<1x512xf32>
        %min3A_135 = vector.broadcast %slice3A_132 : vector<1x512xf32> to vector<512x512xf32>
        %min3A_136 = arith.minimumf %broadcast_in_dim3A_27, %min3A_135 : vector<512x512xf32>
        %max3A_137 = vector.broadcast %slice3A_130 : vector<1x512xf32> to vector<512x512xf32>
        %max3A_138 = arith.maximumf %broadcast_in_dim3A_21, %max3A_137 : vector<512x512xf32>
        %sub3A_139 = arith.subf %min3A_136, %max3A_138 : vector<512x512xf32>
        %max3A_140 = arith.constant 0.000000e+00 : f32
        %max3A_141 = vector.broadcast %max3A_140 : f32 to vector<512x512xf32>
        %max3A_142 = arith.maximumf %sub3A_139, %max3A_141 : vector<512x512xf32>
        %min3A_143 = vector.broadcast %slice3A_133 : vector<1x512xf32> to vector<512x512xf32>
        %min3A_144 = arith.minimumf %broadcast_in_dim3A_30, %min3A_143 : vector<512x512xf32>
        %max3A_145 = vector.broadcast %slice3A_131 : vector<1x512xf32> to vector<512x512xf32>
        %max3A_146 = arith.maximumf %broadcast_in_dim3A_24, %max3A_145 : vector<512x512xf32>
        %sub3A_147 = arith.subf %min3A_144, %max3A_146 : vector<512x512xf32>
        %max3A_148 = arith.constant 0.000000e+00 : f32
        %max3A_149 = vector.broadcast %max3A_148 : f32 to vector<512x512xf32>
        %max3A_150 = arith.maximumf %sub3A_147, %max3A_149 : vector<512x512xf32>
        %mul3A_151 = arith.mulf %max3A_142, %max3A_150 : vector<512x512xf32>
        %add3A_152 = vector.broadcast %slice3A_134 : vector<1x512xf32> to vector<512x512xf32>
        %add3A_153 = arith.addf %broadcast_in_dim3A_33, %add3A_152 : vector<512x512xf32>
        %sub3A_154 = arith.subf %add3A_153, %mul3A_151 : vector<512x512xf32>
        %add3A_155 = arith.constant 9.99999997E-7 : f32
        %add3A_156 = vector.broadcast %add3A_155 : f32 to vector<512x512xf32>
        %add3A_157 = arith.addf %sub3A_154, %add3A_156 : vector<512x512xf32>
        %div3A_158 = arith.divf %mul3A_151, %add3A_157 : vector<512x512xf32>
        %gt3A_159 = arith.constant 4.000000e-01 : f32
        %gt3A_160 = vector.broadcast %gt3A_159 : f32 to vector<512x512xf32>
        %gt3A_161 = arith.cmpf ogt, %div3A_158, %gt3A_160 : vector<512x512xf32>
        %convert_element_type3A_162 = arith.extui %gt3A_161 : vector<512x512xi1> to vector<512x512xi32>
        %convert_element_type3A_163 = arith.sitofp %convert_element_type3A_162 : vector<512x512xi32> to vector<512x512xf32>
        %dot_general3A = arith.constant dense<0.000000e+00> : vector<1x512xf32>
        %dot_general3A_164 = tpu.matmul %while3A_72#0, %convert_element_type3A_163, %dot_general3A {dimension_numbers = #tpu.dot_dimension_numbers<[1], [0], [0], [1], [0, 0, 1, 1], [], []>, transpose_lhs_hint = false} : vector<1x512xf32>, vector<512x512xf32>, vector<1x512xf32> -> vector<1x512xf32>
        %get3A_165 = arith.index_cast %while3A_124 : i32 to index
        %get3A_166 = arith.constant 0 : index
        %get3A_167 = arith.constant 0 : index
        %get3A_168 = vector.load %arg2[%get3A_165, %get3A_166, %get3A_167] : memref<10x1x512xf32, #tpu.memory_space<vmem>>, vector<1x1x512xf32>
        %get3A_169 = vector.shape_cast %get3A_168 : vector<1x1x512xf32> to vector<1x512xf32>
        %eq3A = arith.constant 0.000000e+00 : f32
        %eq3A_170 = vector.broadcast %eq3A : f32 to vector<1x512xf32>
        %eq3A_171 = arith.cmpf oeq, %dot_general3A_164, %eq3A_170 : vector<1x512xf32>
        %convert_element_type3A_172 = arith.extui %eq3A_171 : vector<1x512xi1> to vector<1x512xi32>
        %convert_element_type3A_173 = arith.sitofp %convert_element_type3A_172 : vector<1x512xi32> to vector<1x512xf32>
        %mul3A_174 = arith.mulf %get3A_169, %convert_element_type3A_173 : vector<1x512xf32>
        %swap3A_175 = arith.index_cast %while3A_124 : i32 to index
        %swap3A_176 = arith.constant 0 : index
        %swap3A_177 = arith.constant 0 : index
        %swap3A_178 = vector.load %arg2[%swap3A_175, %swap3A_176, %swap3A_177] : memref<10x1x512xf32, #tpu.memory_space<vmem>>, vector<1x1x512xf32>
        %swap3A_179 = vector.shape_cast %swap3A_178 : vector<1x1x512xf32> to vector<1x512xf32>
        %swap3A_180 = vector.shape_cast %mul3A_174 : vector<1x512xf32> to vector<1x1x512xf32>
        tpu.vector_store %arg2[%swap3A_175, %swap3A_176, %swap3A_177], %swap3A_180 {strides = array<i32>} : memref<10x1x512xf32, #tpu.memory_space<vmem>>, vector<1x1x512xf32>,
      }
      %while3A_123 = arith.constant 1 : i32
      scf.for %while3A_124 = %while3A_121 to %while3A_117 step %while3A_123  : i32 {
        %get3A_125 = arith.index_cast %while3A_124 : i32 to index
        %get3A_126 = arith.constant 0 : index
        %get3A_127 = arith.constant 0 : index
        %get3A_128 = vector.load %arg1[%get3A_125, %get3A_126, %get3A_127] : memref<10x8x512xf32, #tpu.memory_space<vmem>>, vector<1x8x512xf32>
        %get3A_129 = vector.shape_cast %get3A_128 : vector<1x8x512xf32> to vector<8x512xf32>
        %slice3A_130 = vector.extract_strided_slice %get3A_129 {offsets = [0, 0], sizes = [1, 512], strides = [1, 1]} : vector<8x512xf32> to vector<1x512xf32>
        %slice3A_131 = vector.extract_strided_slice %get3A_129 {offsets = [1, 0], sizes = [1, 512], strides = [1, 1]} : vector<8x512xf32> to vector<1x512xf32>
        %slice3A_132 = vector.extract_strided_slice %get3A_129 {offsets = [2, 0], sizes = [1, 512], strides = [1, 1]} : vector<8x512xf32> to vector<1x512xf32>
        %slice3A_133 = vector.extract_strided_slice %get3A_129 {offsets = [3, 0], sizes = [1, 512], strides = [1, 1]} : vector<8x512xf32> to vector<1x512xf32>
        %slice3A_134 = vector.extract_strided_slice %get3A_129 {offsets = [4, 0], sizes = [1, 512], strides = [1, 1]} : vector<8x512xf32> to vector<1x512xf32>
        %min3A_135 = vector.broadcast %slice3A_132 : vector<1x512xf32> to vector<512x512xf32>
        %min3A_136 = arith.minimumf %broadcast_in_dim3A_27, %min3A_135 : vector<512x512xf32>
        %max3A_137 = vector.broadcast %slice3A_130 : vector<1x512xf32> to vector<512x512xf32>
        %max3A_138 = arith.maximumf %broadcast_in_dim3A_21, %max3A_137 : vector<512x512xf32>
        %sub3A_139 = arith.subf %min3A_136, %max3A_138 : vector<512x512xf32>
        %max3A_140 = arith.constant 0.000000e+00 : f32
        %max3A_141 = vector.broadcast %max3A_140 : f32 to vector<512x512xf32>
        %max3A_142 = arith.maximumf %sub3A_139, %max3A_141 : vector<512x512xf32>
        %min3A_143 = vector.broadcast %slice3A_133 : vector<1x512xf32> to vector<512x512xf32>
        %min3A_144 = arith.minimumf %broadcast_in_dim3A_30, %min3A_143 : vector<512x512xf32>
        %max3A_145 = vector.broadcast %slice3A_131 : vector<1x512xf32> to vector<512x512xf32>
        %max3A_146 = arith.maximumf %broadcast_in_dim3A_24, %max3A_145 : vector<512x512xf32>
        %sub3A_147 = arith.subf %min3A_144, %max3A_146 : vector<512x512xf32>
        %max3A_148 = arith.constant 0.000000e+00 : f32
        %max3A_149 = vector.broadcast %max3A_148 : f32 to vector<512x512xf32>
        %max3A_150 = arith.maximumf %sub3A_147, %max3A_149 : vector<512x512xf32>
        %mul3A_151 = arith.mulf %max3A_142, %max3A_150 : vector<512x512xf32>
        %add3A_152 = vector.broadcast %slice3A_134 : vector<1x512xf32> to vector<512x512xf32>
        %add3A_153 = arith.addf %broadcast_in_dim3A_33, %add3A_152 : vector<512x512xf32>
        %sub3A_154 = arith.subf %add3A_153, %mul3A_151 : vector<512x512xf32>
        %add3A_155 = arith.constant 9.99999997E-7 : f32
        %add3A_156 = vector.broadcast %add3A_155 : f32 to vector<512x512xf32>
        %add3A_157 = arith.addf %sub3A_154, %add3A_156 : vector<512x512xf32>
        %div3A_158 = arith.divf %mul3A_151, %add3A_157 : vector<512x512xf32>
        %gt3A_159 = arith.constant 4.000000e-01 : f32
        %gt3A_160 = vector.broadcast %gt3A_159 : f32 to vector<512x512xf32>
        %gt3A_161 = arith.cmpf ogt, %div3A_158, %gt3A_160 : vector<512x512xf32>
        %convert_element_type3A_162 = arith.extui %gt3A_161 : vector<512x512xi1> to vector<512x512xi32>
        %convert_element_type3A_163 = arith.sitofp %convert_element_type3A_162 : vector<512x512xi32> to vector<512x512xf32>
        %dot_general3A = arith.constant dense<0.000000e+00> : vector<1x512xf32>
        %dot_general3A_164 = tpu.matmul %while3A_72#0, %convert_element_type3A_163, %dot_general3A {dimension_numbers = #tpu.dot_dimension_numbers<[1], [0], [0], [1], [0, 0, 1, 1], [], []>, transpose_lhs_hint = false} : vector<1x512xf32>, vector<512x512xf32>, vector<1x512xf32> -> vector<1x512xf32>
        %get3A_165 = arith.index_cast %while3A_124 : i32 to index
        %get3A_166 = arith.constant 0 : index
        %get3A_167 = arith.constant 0 : index
        %get3A_168 = vector.load %arg2[%get3A_165, %get3A_166, %get3A_167] : memref<10x1x512xf32, #tpu.memory_space<vmem>>, vector<1x1x512xf32>
        %get3A_169 = vector.shape_cast %get3A_168 : vector<1x1x512xf32> to vector<1x512xf32>
        %eq3A = arith.constant 0.000000e+00 : f32
        %eq3A_170 = vector.broadcast %eq3A : f32 to vector<1x512xf32>
        %eq3A_171 = arith.cmpf oeq, %dot_general3A_164, %eq3A_170 : vector<1x512xf32>
        %convert_element_type3A_172 = arith.extui %eq3A_171 : vector<1x512xi1> to vector<1x512xi32>
        %convert_element_type3A_173 = arith.sitofp %convert_element_type3A_172 : vector<1x512xi32> to vector<1x512xf32>
        %mul3A_174 = arith.mulf %get3A_169, %convert_element_type3A_173 : vector<1x512xf32>
        %swap3A_175 = arith.index_cast %while3A_124 : i32 to index
        %swap3A_176 = arith.constant 0 : index
        %swap3A_177 = arith.constant 0 : index
        %swap3A_178 = vector.load %arg2[%swap3A_175, %swap3A_176, %swap3A_177] : memref<10x1x512xf32, #tpu.memory_space<vmem>>, vector<1x1x512xf32>
        %swap3A_179 = vector.shape_cast %swap3A_178 : vector<1x1x512xf32> to vector<1x512xf32>
        %swap3A_180 = vector.shape_cast %mul3A_174 : vector<1x512xf32> to vector<1x1x512xf32>
        tpu.vector_store %arg2[%swap3A_175, %swap3A_176, %swap3A_177], %swap3A_180 {strides = array<i32>} : memref<10x1x512xf32, #tpu.memory_space<vmem>>, vector<1x1x512xf32>,
      }
    }
    %scan3A_9 = arith.constant 10 : i32
    %scan3A_10 = arith.constant 0 : i32
    %scan3A_11 = arith.constant 10 : i32
    %scan3A_12 = arith.addi %scan3A_10, %scan3A_11 : i32
    %scan3A_13 = arith.constant 1 : i32
    scf.for %scan3A_15 = %scan3A_10 to %scan3A_12 step %scan3A_13  : i32 {
      %get3A = arith.index_cast %scan3A_15 : i32 to index
      %get3A_16 = arith.constant 0 : index
      %get3A_17 = arith.constant 0 : index
      %get3A_18 = vector.load %arg2[%get3A, %get3A_16, %get3A_17] : memref<10x1x512xf32, #tpu.memory_space<vmem>>, vector<1x1x512xf32>
      %get3A_19 = vector.shape_cast %get3A_18 : vector<1x1x512xf32> to vector<1x512xf32>
      %get3A_20 = arith.index_cast %scan3A_15 : i32 to index
      %get3A_21 = arith.constant 0 : index
      %get3A_22 = arith.constant 0 : index
      %get3A_23 = vector.load %arg1[%get3A_20, %get3A_21, %get3A_22] : memref<10x8x512xf32, #tpu.memory_space<vmem>>, vector<1x8x512xf32>
      %get3A_24 = vector.shape_cast %get3A_23 : vector<1x8x512xf32> to vector<8x512xf32>
      %slice3A = vector.extract_strided_slice %get3A_24 {offsets = [5, 0], sizes = [1, 512], strides = [1, 1]} : vector<8x512xf32> to vector<1x512xf32>
      %gt3A = arith.constant 3.000000e-01 : f32
      %gt3A_25 = vector.broadcast %gt3A : f32 to vector<1x512xf32>
      %gt3A_26 = arith.cmpf ogt, %slice3A, %gt3A_25 : vector<1x512xf32>
      %convert_element_type3A_27 = arith.extui %gt3A_26 : vector<1x512xi1> to vector<1x512xi32>
      %convert_element_type3A_28 = arith.sitofp %convert_element_type3A_27 : vector<1x512xi32> to vector<1x512xf32>
      %mul3A = arith.mulf %get3A_19, %convert_element_type3A_28 : vector<1x512xf32>
      %swap3A_29 = arith.index_cast %scan3A_15 : i32 to index
      %swap3A_30 = arith.constant 0 : index
      %swap3A_31 = arith.constant 0 : index
      %swap3A_32 = vector.load %arg2[%swap3A_29, %swap3A_30, %swap3A_31] : memref<10x1x512xf32, #tpu.memory_space<vmem>>, vector<1x1x512xf32>
      %swap3A_33 = vector.shape_cast %swap3A_32 : vector<1x1x512xf32> to vector<1x512xf32>
      %swap3A_34 = vector.shape_cast %mul3A : vector<1x512xf32> to vector<1x1x512xf32>
      tpu.vector_store %arg2[%swap3A_29, %swap3A_30, %swap3A_31], %swap3A_34 {strides = array<i32>} : memref<10x1x512xf32, #tpu.memory_space<vmem>>, vector<1x1x512xf32>,
    }
    %scan3A_14 = arith.constant 10 : i32
    return
  }
}

</mosaic_0001>

<sc_bundles>
// kernel: kernel.4.cloned.1.call-start
scs
__scs_entry_jumppad:
0x0: {  	(pc) =	sbr.rel $0x88, $3  }
0x1: {  	(tag) =	ssettag $0x0;
	lr =	simm.s32 $0x1  }
0x2: {  	[smem:$0x3F9F] =	sst lr;
	_ =	strace $0xD0000000  }
0x3: {  	_ = 	snop  }
0x4: {  	_ = 	snop  }
0x5: {  	_ = 	snop  }
0x6: {  	_ = 	snop  }
0x7: {  	_ = 	snop  }
__scs_overlays_trampoline_lowered:
0x8: {  	[smem:$0x3FAE] =	sst s0  }
0x9: {  	[smem:$0x3FAF] =	sst s1  }
0xa: {  	[smem:$0x3FB0] =	sst s2  }
0xb: {  	[smem:$0x3FB1] =	sst s3  }
0xc: {  	[smem:$0x3FB2] =	sst s4  }
0xd: {  	[smem:$0x3FB3] =	sst s5  }
0xe: {  	[smem:$0x3FB4] =	sst s6  }
0xf: {  	[smem:$0x3FB5] =	sst s7  }
0x10: {  	[smem:$0x3FB6] =	sst s8  }
0x11: {  	[smem:$0x3FB7] =	sst s9;
	s0 =	simm.s32 @!p0 $0x0  }
0x12: {  	s1 =	sld [smem:$0x3F9D];
	s0 =	simm.s32 @p0 $0x1  }
0x13: {  	[smem:$0x3FB8] =	sst s0;
	s0 =	simm.s32 @!p1 $0x0  }
0x14: {  	s2 =	sld [smem:$0x3F9C];
	s0 =	simm.s32 @p1 $0x1  }
0x15: {  	[smem:$0x3FB9] =	sst s0;
	s0 =	simm.s32 @!p2 $0x0  }
0x16: {  	s3 =	sld [smem:$0x3FDB];
	s0 =	simm.s32 @p2 $0x1  }
0x17: {  	s4 =	simm.s32 $0x1BF5;
	[smem:$0x3FBB] =	sst s0  }
0x18: {  	s0 =	sld [smem:$0x3F9E];
	_ =	swait.ge [sflag:s4], $0x0  }
0x19: {  	s7 =	sld [smem:$0x3F9F]  }
0x1a: {  	s8 =	sadd.s32 $0xFFFFE003, lr  }
0x1b: {  	s9 =	sadd.s32 $0xFFFFFEF7, lr;
	s5 =	simm.s32 $0xFFFFFFFF;
	p2 =	slt.u32 s8, $0xFFFFF086  }
0x1c: {  	p1 =	slt.u32 s9, $0xF7A;
	s5 =	simm.s32 @!p2 $0x0  }
0x1d: {  	s5 =	simm.s32 @p1 $0x1;
	p0 =	seq.s32 s7, s2  }
0x1e: {  	s7 =	smul.u32 @!p0 $0xF7A, s2;
	p2 =	seq.s32 @!p0 s5, $0x0  }
0x1f: {  	s9 =	smul.u32 $0xF7A, s1;
	s8 =	simm.s32 @!p0 $0x1BF5;
	p2 =	por !p2, p0  }
0x20: {  	[sflag:s8] =	ssyncset.s32 @!p0 $0xFFFFF086;
	s6 =	sadd.s32 @!p0 s3, s7;
	s7 =	simm.s32 @!p0 $0x108  }
0x21: {  	s3 =	sadd.s32 s3, s9;
	s6 =	sadd.s32 @!p0 $0x88, s6;
	s7 =	simm.s32 @p2 $0x1082  }
0x22: {  	[simem:s7], [sflag:s8] =	dma.local @!p0 [hbm:s6], $0xF7A  }
0x23: {  	s9 =	sor.u32 $0xD0000000, s2;
	s6 =	simm.s32 $0x108;
	_ =	swait.ge @!p0 [sflag:s8], $0x0  }
0x24: {  	s3 =	sadd.s32 $0x88, s3;
	s6 =	simm.s32 @!p1 $0x1082;
	[sflag:s4] =	ssyncset.s32 $0xFFFFF086  }
0x25: {  	[simem:s6], [sflag:s4] =	dma.local [hbm:s3], $0xF7A  }
0x26: {  	[smem:$0x3F9F] =	sst s1;
	(tag) =	ssettag s2;
	_ =	strace s9  }
0x27: {  	s1 =	sld [smem:$0x3FAF]  }
0x28: {  	s2 =	sld [smem:$0x3FB0]  }
0x29: {  	s4 =	sld [smem:$0x3FB2]  }
0x2a: {  	p0 =	seq.s32 s5, $0x0;
	s5 =	sld [smem:$0x3FB3]  }
0x2b: {  	s6 =	sld [smem:$0x3FB4]  }
0x2c: {  	s7 =	sld [smem:$0x3FB5]  }
0x2d: {  	s3 =	simm.s32 $0x108;
	s8 =	sld [smem:$0x3FB6]  }
0x2e: {  	s3 =	simm.s32 @!p0 $0x1082;
	s9 =	sld [smem:$0x3FB7]  }
0x2f: {  	lr =	sadd.s32 s0, s3;
	s0 =	sld [smem:$0x3FAE]  }
0x30: {  	s3 =	sld [smem:$0x3FB1]  }
0x31: {  	[smem:$0x3FBA] =	sst s10  }
0x32: {  	s10 =	sld [smem:$0x3FB8];
	_ =	sdelay $0x3  }
0x33: {  	p0 =	seq.s32 s10, $0x1;
	s10 =	sld [smem:$0x3FBA];
	_ =	sdelay $0x3  }
0x34: {  	[smem:$0x3FBA] =	sst s10  }
0x35: {  	s10 =	sld [smem:$0x3FB9];
	_ =	sdelay $0x3  }
0x36: {  	p1 =	seq.s32 s10, $0x1;
	s10 =	sld [smem:$0x3FBA];
	_ =	sdelay $0x3  }
0x37: {  	[smem:$0x3FBA] =	sst s10  }
0x38: {  	s10 =	sld [smem:$0x3FBB]  }
0x39: {  	_ = 	snop;
	(pc) =	sbr.ind lr, $3  }
0x3a: {  	_ = 	snop  }
0x3b: {  	_ = 	snop  }
0x3c: {  	p2 =	seq.s32 s10, $0x1;
	s10 =	sld [smem:$0x3FBA]  }
0x3d: {  	_ =	shalt  }
0x3e: {  	_ =	shalt  }
0x3f: {  	_ =	shalt  }
0x40: {  	_ =	shalt  }
0x41: {  	_ =	shalt  }
0x42: {  	_ =	shalt  }
0x43: {  	_ =	shalt  }
0x44: {  	_ =	shalt  }
0x45: {  	_ =	shalt  }
0x46: {  	_ =	shalt  }
0x47: {  	_ =	shalt  }
0x48: {  	_ =	shalt  }
0x49: {  	_ =	shalt  }
0x4a: {  	_ =	shalt  }
0x4b: {  	_ =	shalt  }
0x4c: {  	_ =	shalt  }
0x4d: {  	_ =	shalt  }
0x4e: {  	_ =	shalt  }
0x4f: {  	_ =	shalt  }
0x50: {  	_ =	shalt  }
0x51: {  	_ =	shalt  }
0x52: {  	_ =	shalt  }
0x53: {  	_ =	shalt  }
0x54: {  	_ =	shalt  }
0x55: {  	_ =	shalt  }
0x56: {  	_ =	shalt  }
0x57: {  	_ =	shalt  }
0x58: {  	_ =	shalt  }
0x59: {  	_ =	shalt  }
0x5a: {  	_ =	shalt  }
0x5b: {  	_ =	shalt  }
0x5c: {  	_ =	shalt  }
0x5d: {  	_ =	shalt  }
0x5e: {  	_ =	shalt  }
0x5f: {  	_ =	shalt  }
0x60: {  	_ =	shalt  }
0x61: {  	_ =	shalt  }
0x62: {  	_ =	shalt  }
0x63: {  	_ =	shalt  }
0x64: {  	_ =	shalt  }
0x65: {  	_ =	shalt  }
0x66: {  	_ =	shalt  }
0x67: {  	_ =	shalt  }
0x68: {  	_ =	shalt  }
0x69: {  	_ =	shalt  }
0x6a: {  	_ =	shalt  }
0x6b: {  	_ =	shalt  }
0x6c: {  	_ =	shalt  }
0x6d: {  	_ =	shalt  }
0x6e: {  	_ =	shalt  }
0x6f: {  	_ =	shalt  }
0x70: {  	_ =	shalt  }
0x71: {  	_ =	shalt  }
0x72: {  	_ =	shalt  }
0x73: {  	_ =	shalt  }
0x74: {  	_ =	shalt  }
0x75: {  	_ =	shalt  }
0x76: {  	_ =	shalt  }
0x77: {  	_ =	shalt  }
0x78: {  	_ =	shalt  }
0x79: {  	_ =	shalt  }
0x7a: {  	_ =	shalt  }
0x7b: {  	_ =	shalt  }
0x7c: {  	_ =	shalt  }
0x7d: {  	_ =	shalt  }
0x7e: {  	_ =	shalt  }
0x7f: {  	_ =	shalt  }
0x80: {  	_ =	shalt  }
0x81: {  	_ =	shalt  }
0x82: {  	_ =	shalt  }
0x83: {  	_ =	shalt  }
0x84: {  	_ =	shalt  }
0x85: {  	_ =	shalt  }
0x86: {  	_ =	shalt  }
0x87: {  	_ =	shalt  }
.Lfunc_end0:
.L_simem_size_0:
called_computation_lowered:
.L_overlay_start_0:
0x88: {  	s2 =	sld [smem:$0x3FD9]  }
0x89: {  	s3 =	sld [smem:$0x3FFE];
	_ =	sdelay $0x1  }
0x8a: {  	s1 =	srdreg.scid  }
0x8b: {  	s0 =	sand.u32 $0x1, s1  }
0x8c: {  	s17 =	sshll.u32 s0, $0xA;
	s2 =	sadd.s32 s3, s2  }
0x8d: {  	s2 =	sadd.s32 s2, s17  }
0x8e: {  	[smem:$0x3FC6] =	sst s2  }
0x8f: {  	_ = 	snop  }
0x90: {  	s2 =	sld [smem:$0x3FD0];
	(tm) =	ssettm $0x1  }
0x91: {  	s18 =	sld [smem:$0x3FFB];
	_ =	sdelay $0x3  }
0x92: {  	_ =	strace s18  }
0x93: {  	s3 =	sld [smem:$0x3FFC];
	_ =	sdelay $0x3  }
0x94: {  	_ =	strace s3  }
0x95: {  	s3 =	sld [smem:$0x3FFD];
	_ =	sdelay $0x3  }
0x96: {  	_ =	strace s3  }
0x97: {  	_ =	strace $0x8FFFFFFF  }
0x98: {  	s19 =	sld [smem:$0x3FDB];
	_ =	sdelay $0x1  }
0x99: {  	s4 =	simm.s32 $_scs_section_size  }
0x9a: {  	s5 =	simm.s32 $_size__tile_overlayer_lowered;
	s6 =	simm.s32 $_tile_overlayer_lowered  }
0x9b: {  	s22 =	simm.s32 $0x1BFF;
	s21 =	sshll.u32 s6, $0x1;
	s3 =	sadd.s32 s4, s19  }
0x9c: {  	s7 =	simm.s32 $0x0;
	s20 =	sshll.u32 s5, $0x1;
	s5 =	sadd.s32 s21, s3  }
0x9d: {  	[timem:s7], [sflag:s22] =	dma.local [hbm:s5], s20  }
0x9e: {  	_ =	swait.ge [sflag:s22], s20  }
0x9f: {  	s4 =	ssub.s32 $0x0, s20;
	[sflag:s22] =	ssyncset.done $0x0  }
0xa0: {  	[sflag:s22] =	ssyncadd.s32 s4;
	_ =	sdelay $0x1  }
0xa1: {  	s23 =	simm.s32 $0x1B8B  }
0xa2: {  	_ =	swait.ge [sflag:s23], $0x1  }
0xa3: {  	[sflag:s23] =	ssyncset.done $0x0  }
0xa4: {  	s25 =	simm.s32 $0x1B8E;
	s24 =	sld [smem:$0x3FFE];
	[sflag:s23] =	ssyncadd.s32 $0xFFFFFFFF  }
0xa5: {  	s26 =	simm.s32 $execute0_lowered;
	[smem:$0x3FD2] =	sst s25  }
0xa6: {  	s5 =	sshll.u32 s26, $0x1;
	_ =	strace $0x80000046;
	[dreg:$0x1] =	wrdreg $0xFFFFFFFF  }
0xa7: {  	s28 =	simm.s32 $_size_execute0_lowered;
	s3 =	sadd.s32 s3, s5;
	[dreg:$0x0] =	wrdreg $0x0  }
0xa8: {  	s5 =	sshll.u32 s28, $0x1;
	[dreg:$0x2] =	wrdreg s3  }
0xa9: {  	[dreg:$0x3] =	wrdreg s5  }
0xaa: {  	[dreg:$0x4] =	wrdreg $0xC0  }
0xab: {  	_ =	task [dreg:s7], $0x5FFFF  }
0xac: {  	[dreg:$0x1] =	wrdreg $0xFFFFFFFF  }
0xad: {  	[dreg:$0x0] =	wrdreg $0x60  }
0xae: {  	[dreg:$0x2] =	wrdreg s24  }
0xaf: {  	[dreg:$0x3] =	wrdreg s2  }
0xb0: {  	[dreg:$0x4] =	wrdreg $0x9  }
0xb1: {  	_ =	task.clear_ibuf [dreg:s7], $0x5FFFF;
	_ =	strace $0x90000046  }
0xb2: {  	s29 =	simm.s32 $0x9;
	_ =	strace $0x80000048  }
0xb3: {  	_ =	swait.ge [sflag:s29], $0x1  }
0xb4: {  	[sflag:s29] =	ssyncadd.s32 $0xFFFFFFFF  }
0xb5: {  	_ =	strace $0x90000048  }
0xb6: {  	_ =	sfence  }
0xb7: {  	s30 =	sld [smem:$0x0];
	_ =	sdelay $0x2  }
0xb8: {  	s31 =	sshll.u32 s1, $0xD;
	s1 =	sshrl.u32 s1, $0x2  }
0xb9: {  	s3 =	sand.u32 $0x4000, s31;
	s1 =	sadd.s32 s1, s30  }
0xba: {  	s0 =	sor.u32 s3, s0;
	s1 =	sshll.u32 s1, $0x11  }
0xbb: {  	s0 =	sor.u32 s1, s0  }
0xbc: {  	s0 =	sadd.s32 $0x8F2B, s0  }
0xbd: {  	[sflag:s0] =	ssyncadd.remote.s32 $0x1  }
0xbe: {  	_ =	sfence.sel $0xFFFF  }
0xbf: {  	[dreg:$0x0] =	wrdreg $0xFFFFFFFF;
	(pc) =	sbr.abs _section_cstart, $3  }
0xc0: {  	[dreg:$0x1] =	wrdreg $0xFFFFFFFF  }
0xc1: {  	_ =	task.clear_ibuf [dreg:s7], $0x2FFFF;
	_ =	strace $0x9FFFFFFF  }
0xc2: {  	(tm) =	ssettm $0x7FFFFFFF  }
0xc3: {  	_ =	shalt  }
tec
execute0_lowered:
.L_overlay_start_1:
0x0: {  	(tag) =	ssettag $0x1  }
0x1: {  	s1 =	srdreg.scid;
	s0 =	stileid.u32  }
0x2: {  	s2 =	rddreg [dreg:$0x0];
	s10 =	sand.u32 $0x1, s1;
	s29 =	sshll.u32 s0, $0x1  }
0x3: {  	s4 =	rddreg [dreg:$0x1];
	s11 =	sor.u32 s10, s29  }
0x4: {  	s3 =	simm.s32 $0x0;
	s1 =	rddreg [dreg:$0x2];
	s5 =	smul.u32 $0x14, s11  }
0x5: {  	[smem:$0x7FF] =	sst s3  }
0x6: {  	_ =	strace $0x80000047;
	s5 =	sadd.s32 s4, s5;
	s4 =	simm.s32 $0x2  }
0x7: {  	[tilespmem:s3], [sflag:$0x2] =	stream.linear.gather [hbm4b:s5+s3], $0xA0, $0x38;
	[tilespmem:$0xAA0] =	vst v63  }
0x8: {  	_ =	swait.ge [sflag:s4], $0xA0  }
0x9: {  	[sflag:s4] =	ssyncset.done $0x0  }
0xa: {  	s6 =	simm.s32 $0x50;
	s7 =	simm.s32 $0xA0;
	[sflag:s4] =	ssyncadd.s32 $0xFFFFFF60  }
0xb: {  	[tilespmem:s7], [sflag:$0x1] =	stream.indirect.gather [hbm4b:s2+s6], $0x10, s3, s6, $0xb8;
	[tilespmem:$0xAA0] =	vst v63  }
0xc: {  	s8 =	simm.s32 $0x5A0;
	s9 =	simm.s32 $0x1;
	s10 =	ssub.s32 $0x2, s10  }
0xd: {  	[tilespmem:s8], [sflag:$0x1] =	stream.indirect.gather [hbm4b:s2+s6], $0x10, s6, s6, $0xb8;
	[tilespmem:$0xAA0] =	vst v63  }
0xe: {  	s12 =	sshrl.u32 s10, $0x1;
	_ =	swait.ge [sflag:s9], $0x500  }
0xf: {  	s12 =	ssub.s32 s10, s12;
	[sflag:s9] =	ssyncset.done $0x0  }
0x10: {  	s11 =	smul.u32 $0x140, s11;
	s31 =	smax.u32 s12, $0x1;
	[sflag:s9] =	ssyncadd.s32 $0xFFFFFB00  }
0x11: {  	p0 =	sne.s32 s31, $0x1;
	_ =	swait.ge [sflag:s9], $0x500  }
.Ltmp0:
0x12: {  	s30 =	sadd.s32 s11, s2;
	[sflag:s9] =	ssyncset.done $0x0;
	(pc) =	sbr.rel @!p0 .LBB2_2-.Ltmp0, $4  }
0x13: {  	s10 =	sadd.s32 $0x2800, s30;
	[sflag:s9] =	ssyncadd.s32 $0xFFFFFB00  }
0x14: {  	[hbm4b:s10+s3] =	stream.linear.scatter [tilespmem:s7], [sflag:$0x2], $0xA00, $0x38;
	[tilespmem:$0xAA0] =	vst v63  }
0x15: {  	_ =	swait.ge [sflag:s4], $0xA00  }
0x16: {  	s11 =	sadd.s32 $0xFFFFFFFF, s31;
	[sflag:s4] =	ssyncset.done $0x0  }
.LBB2_1:
0x17: {  	p0 =	sne.s32 s11, $0x1;
	s11 =	sadd.s32 $0xFFFFFFFF, s11;
	[sflag:s4] =	ssyncadd.s32 $0xFFFFF600  }
0x18: {  	[tilespmem:s3], [sflag:$0x2] =	stream.linear.gather [hbm4b:s5+s3], $0xA0, $0x38;
	[tilespmem:$0xAA0] =	vst v63  }
0x19: {  	_ =	swait.ge [sflag:s4], $0xA0  }
0x1a: {  	[sflag:s4] =	ssyncset.done $0x0  }
0x1b: {  	[sflag:s4] =	ssyncadd.s32 $0xFFFFFF60  }
0x1c: {  	[tilespmem:s7], [sflag:$0x1] =	stream.indirect.gather [hbm4b:s2+s6], $0x10, s3, s6, $0xb8;
	[tilespmem:$0xAA0] =	vst v63  }
0x1d: {  	_ = 	snop  }
0x1e: {  	[tilespmem:s8], [sflag:$0x1] =	stream.indirect.gather [hbm4b:s2+s6], $0x10, s6, s6, $0xb8;
	[tilespmem:$0xAA0] =	vst v63  }
0x1f: {  	_ =	swait.ge [sflag:s9], $0x500  }
0x20: {  	[sflag:s9] =	ssyncset.done $0x0  }
0x21: {  	[sflag:s9] =	ssyncadd.s32 $0xFFFFFB00  }
0x22: {  	_ =	swait.ge [sflag:s9], $0x500  }
.Ltmp1:
0x23: {  	[sflag:s9] =	ssyncset.done $0x0;
	(pc) =	sbr.rel @p0 .LBB2_1-.Ltmp1, $4  }
0x24: {  	[sflag:s9] =	ssyncadd.s32 $0xFFFFFB00  }
0x25: {  	[hbm4b:s10+s3] =	stream.linear.scatter [tilespmem:s7], [sflag:$0x2], $0xA00, $0x38;
	[tilespmem:$0xAA0] =	vst v63  }
0x26: {  	_ =	swait.ge [sflag:s4], $0xA00  }
0x27: {  	[sflag:s4] =	ssyncset.done $0x0  }
.LBB2_2:
0x28: {  	[sflag:s4] =	ssyncadd.s32 $0xFFFFF600  }
0x29: {  	_ =	sfence.sel $0x180000  }
0x2a: {  	[bflag:$0x0] =	sbarrier.arrive $0xFFFF  }
0x2b: {  	p0 =	sne.s32 s0, $0x0;
	_ =	strace $0x90000047  }
0x2c: {  	s0 =	sadd.s32 @!p0 $0x100000, s1;
	[bflag:$0x2] =	sbarrier.arrive $0xFFFF  }
0x2d: {  	[sflag:s0] =	ssyncadd.tile.s32 @!p0 $0x1;
	_ =	shalt  }
.Lfunc_end2:
_tile_overlayer_lowered:
.L_overlay_start_2:
0x2e: {  	(tag) =	ssettag $0x2  }
0x2f: {  	s0 =	rddreg [dreg:$0x0];
	s2 =	stileid.u32  }
0x30: {  	s1 =	rddreg [dreg:$0x1];
	p0 =	sne.s32 s2, $0x0  }
0x31: {  	s3 =	rddreg [dreg:$0x2];
	[bflag:$0x3] =	sbarrier.arrive $0xFFFF;
	s2 =	simm.s32 @!p0 $0x1C02  }
0x32: {  	[timem:s3], [sflag:s2] =	dma.local @!p0 [hbm:s0], s1  }
0x33: {  	s0 =	simm.s32 @!p0 $0x2  }
0x34: {  	_ =	swait.ge @!p0 [sflag:s0], s1  }
0x35: {  	s1 =	ssub.s32 @!p0 $0x0, s1;
	[sflag:s0] =	ssyncset.done @!p0 $0x0  }
0x36: {  	[sflag:s0] =	ssyncadd.s32 @!p0 s1  }
0x37: {  	[bflag:$0x3] =	sbarrier.arrive $0xFFFF  }
0x38: {  	_ =	shalt  }

</sc_bundles>
